<compile_context>
chip_gen: v7x
topology: tpu7x:2x2x1
jax: 0.10.2.dev20260603
libtpu: 0.0.44.dev20260713+nightly
codegen_flags: <defaults>
</compile_context>

<pallas_src>
import functools

import jax
import jax.numpy as jnp
import numpy as np
from jax import lax
from jax.experimental import pallas as pl
from jax.experimental.pallas import tpu as pltpu
from jax.experimental.pallas import tpu_sc as plsc

BATCH = 16384
NUM_FIELDS = 26
EMBED_DIM = 64
NUM_INTERACTIONS = 100
LANES = 16
P_PAD = 112
NCHUNK_P = P_PAD // LANES
S_ROW = NUM_INTERACTIONS
NB = 16
ROW_W = NUM_FIELDS * EMBED_DIM


def _make_sc_kernel(num_workers):
    rows_pw = BATCH // num_workers
    nchunks = rows_pw // NB
    mesh = plsc.VectorSubcoreMesh(core_axis_name="c", subcore_axis_name="s")

    @functools.partial(
        pl.kernel,
        mesh=mesh,
        compiler_params=pltpu.CompilerParams(needs_layout_passes=False),
        out_type=jax.ShapeDtypeStruct((BATCH,), jnp.float32),
        scratch_types=[
            pltpu.VMEM((NB * ROW_W,), jnp.float32),
            pltpu.VMEM((NB * ROW_W,), jnp.float32),
            pltpu.VMEM((NB * S_ROW,), jnp.float32),
            pltpu.VMEM((NB * S_ROW,), jnp.float32),
            pltpu.VMEM((P_PAD,), jnp.int32),
            pltpu.VMEM((P_PAD,), jnp.int32),
            pltpu.VMEM((EMBED_DIM,), jnp.float32),
            pltpu.VMEM((LANES,), jnp.float32),
            pltpu.VMEM((rows_pw,), jnp.float32),
            pltpu.SemaphoreType.DMA,
            pltpu.SemaphoreType.DMA,
            pltpu.SemaphoreType.DMA,
            pltpu.SemaphoreType.DMA,
        ],
    )
    def sc_kernel(emb_hbm, sc_hbm, off1_hbm, off2_hbm, w_hbm, b_hbm, out_hbm,
                  emb_v0, emb_v1, sc_v0, sc_v1, off1_v, off2_v, w_v, b_v, out_v,
                  sem_e0, sem_e1, sem_s0, sem_s1):
        emb_v = (emb_v0, emb_v1)
        sc_v = (sc_v0, sc_v1)
        wid = lax.axis_index("s") * 2 + lax.axis_index("c")
        row0 = wid * rows_pw

        pltpu.sync_copy(off1_hbm, off1_v)
        pltpu.sync_copy(off2_hbm, off2_v)
        pltpu.sync_copy(w_hbm, w_v)
        pltpu.sync_copy(b_hbm, b_v)
        bvec = b_v[...]

        sem_e = (sem_e0, sem_e1)
        sem_s = (sem_s0, sem_s1)

        def issue(chunk, slot):
            base = (row0 + chunk * NB)
            e = pltpu.async_copy(
                emb_hbm.at[pl.ds(base * ROW_W, NB * ROW_W)], emb_v[slot],
                sem_e[slot])
            s = pltpu.async_copy(
                sc_hbm.at[pl.ds(base * S_ROW, NB * S_ROW)], sc_v[slot],
                sem_s[slot])
            del e, s

        def wait(chunk, slot):
            base = (row0 + chunk * NB)
            pltpu.make_async_copy(
                emb_hbm.at[pl.ds(base * ROW_W, NB * ROW_W)], emb_v[slot],
                sem_e[slot]).wait()
            pltpu.make_async_copy(
                sc_hbm.at[pl.ds(base * S_ROW, NB * S_ROW)], sc_v[slot],
                sem_s[slot]).wait()

        issue(0, 0)
        issue(1, 1)

        def do_row(r, chunk, slot):
            ebase = r * ROW_W
            sbase = r * S_ROW
            b1 = [off1_v[pl.ds(pc * LANES, LANES)] + ebase
                  for pc in range(NCHUNK_P)]
            b2 = [off2_v[pl.ds(pc * LANES, LANES)] + ebase
                  for pc in range(NCHUNK_P)]
            eref = emb_v[slot]

            lane = lax.iota(jnp.int32, LANES)

            def dstep(d, accs):
                dl = (lane + d) & (EMBED_DIM - 1)
                wv = plsc.load_gather(w_v, [dl])
                new = []
                for pc in range(NCHUNK_P):
                    g1 = plsc.load_gather(eref, [b1[pc] + dl])
                    g2 = plsc.load_gather(eref, [b2[pc] + dl])
                    new.append(accs[pc] + g1 * g2 * wv)
                return tuple(new)

            accs = plsc.parallel_loop(
                0, EMBED_DIM, unroll=1,
                carry=tuple(jnp.zeros((LANES,), jnp.float32)
                            for _ in range(NCHUNK_P)))(dstep)
            t = bvec
            for pc in range(NCHUNK_P):
                off = pc * LANES if pc < 6 else S_ROW - LANES
                sv = sc_v[slot][pl.ds(sbase + off, LANES)]
                if pc == 6:
                    sv = jnp.where(lane >= 12, sv, 0.0)
                t = t + accs[pc] * sv
            val = jnp.sum(t)
            lane = lax.iota(jnp.int32, LANES)
            plsc.store_scatter(out_v, [jnp.full((LANES,), 0, jnp.int32) + (chunk * NB + r)],
                               jnp.zeros((LANES,), jnp.float32) + val,
                               mask=lane == 0)

        def do_chunk(chunk, slot):
            wait(chunk, slot)

            def rbody(r, _):
                do_row(r, chunk, slot)
                return 0

            lax.fori_loop(0, NB, rbody, 0)

            @pl.when(chunk + 2 < nchunks)
            def _():
                issue(chunk + 2, slot)

        def gbody(g2, _):
            do_chunk(g2 * 2, 0)
            do_chunk(g2 * 2 + 1, 1)
            return 0

        lax.fori_loop(0, nchunks // 2, gbody, 0)
        pltpu.sync_copy(out_v, out_hbm.at[pl.ds(row0, rows_pw)])

    return sc_kernel


@jax.jit
def kernel(embeddings, selected_pairs, interaction_scores, W, b):
    emb_flat = embeddings.reshape(-1)
    order = np.concatenate([np.arange(96), np.arange(84, 100)]).astype(np.int32)
    off1 = selected_pairs[order, 0] * EMBED_DIM
    off2 = selected_pairs[order, 1] * EMBED_DIM
    sc_flat = interaction_scores.reshape(-1)
    w_flat = W.reshape(-1)
    b_pad = jnp.pad(b, (0, LANES - 1))

    sc_fn = _make_sc_kernel(32)
    out = sc_fn(emb_flat, sc_flat, off1.astype(jnp.int32),
                off2.astype(jnp.int32), w_flat, b_pad)
    return out.reshape(BATCH, 1)

# --- scband reference (transcript-rebuilt; emitter-appended) ---
"""Pipeline reference for scband-feature-crossing-15461882266237 (READ-ONLY COPY).

The authoritative reference and input builder live on the scoring server;
editing this copy changes nothing except your own understanding.
"""

import jax, jax.numpy as jnp
import numpy as np

BATCH = 16384
NUM_FIELDS = 26
EMBED_DIM = 64
NUM_INTERACTIONS = 100


def setup_inputs(seed: int = 0) -> dict:
    key = jax.random.key(seed)
    k1, k2, k3, k4 = jax.random.split(key, 4)
    embeddings = jax.random.normal(k1, (BATCH, NUM_FIELDS, EMBED_DIM), dtype=jnp.float32)
    selected_pairs = jax.random.randint(k2, (NUM_INTERACTIONS, 2), 0, NUM_FIELDS, dtype=jnp.int32)
    interaction_scores = jax.random.uniform(k3, (BATCH, NUM_INTERACTIONS), dtype=jnp.float32)
    # Linear(embedding_dim, 1): xavier_uniform weight, zero bias
    limit = float(np.sqrt(6.0 / (EMBED_DIM + 1)))
    W = jax.random.uniform(k4, (1, EMBED_DIM), dtype=jnp.float32, minval=-limit, maxval=limit)
    b = jnp.zeros((1,), dtype=jnp.float32)
    return {"embeddings": embeddings, "selected_pairs": selected_pairs, "interaction_scores": interaction_scores, "W": W, "b": b}


def reference(embeddings, selected_pairs, interaction_scores, W, b):
    # Gather both fields of every selected pair: (B, num_interactions, D)
    e1 = jnp.take(embeddings, selected_pairs[:, 0], axis=1)
    e2 = jnp.take(embeddings, selected_pairs[:, 1], axis=1)
    crossed = e1 * e2  # elementwise cross per pair
    weighted = crossed * interaction_scores[:, :, None]
    summed = jnp.sum(weighted, axis=1)  # (B, D)
    output = summed @ W.T + b  # (B, 1)
    return output

if __name__ == "__main__":
    import jax
    _d = setup_inputs()
    print(jax.jit(kernel)(*tuple(_d.values())))

</pallas_src>

<mosaic_0001>
#map = affine_map<(d0, d1) -> (0)>
module attributes {stable_mosaic.version = 14 : i64} {
  func.func @sc_kernel(%arg0: i32, %arg1: i32, %arg2: memref<27262976xf32, #tpu.memory_space<hbm>>, %arg3: memref<1638400xf32, #tpu.memory_space<hbm>>, %arg4: memref<112xi32, #tpu.memory_space<hbm>>, %arg5: memref<112xi32, #tpu.memory_space<hbm>>, %arg6: memref<64xf32, #tpu.memory_space<hbm>>, %arg7: memref<16xf32, #tpu.memory_space<hbm>>, %arg8: memref<16384xf32, #tpu.memory_space<hbm>>, %arg9: memref<26624xf32, #tpu.memory_space<vmem>>, %arg10: memref<26624xf32, #tpu.memory_space<vmem>>, %arg11: memref<1600xf32, #tpu.memory_space<vmem>>, %arg12: memref<1600xf32, #tpu.memory_space<vmem>>, %arg13: memref<112xi32, #tpu.memory_space<vmem>>, %arg14: memref<112xi32, #tpu.memory_space<vmem>>, %arg15: memref<64xf32, #tpu.memory_space<vmem>>, %arg16: memref<16xf32, #tpu.memory_space<vmem>>, %arg17: memref<512xf32, #tpu.memory_space<vmem>>, %arg18: memref<!tpu.dma_semaphore, #tpu.memory_space<semaphore_mem>>, %arg19: memref<!tpu.dma_semaphore, #tpu.memory_space<semaphore_mem>>, %arg20: memref<!tpu.dma_semaphore, #tpu.memory_space<semaphore_mem>>, %arg21: memref<!tpu.dma_semaphore, #tpu.memory_space<semaphore_mem>>) attributes {dimension_semantics = [#tpu.dimension_semantics<core_parallel>, #tpu.dimension_semantics<subcore_parallel>], iteration_bounds = array<i64: 2, 16>, scalar_prefetch = 0 : i64, scratch_operands = 13 : i64, tpu.core_type = #tpu.core_type<sc_vector_subcore>, window_params = [{transform_indices = #map}, {transform_indices = #map}, {transform_indices = #map}, {transform_indices = #map}, {transform_indices = #map}, {transform_indices = #map}, {transform_indices = #map}]} {
    %mul3A = arith.constant 2 : i32
    %mul3A_0 = arith.muli %arg1, %mul3A : i32
    %add3A = arith.addi %mul3A_0, %arg0 : i32
    %mul3A_1 = arith.constant 512 : i32
    %mul3A_2 = arith.muli %add3A, %mul3A_1 : i32
    "tpu.region"() ({
      %run_scoped3A = tpu.sem_alloc : memref<!tpu.dma_semaphore, #tpu.memory_space<semaphore_mem>>
      tpu.enqueue_dma source(%arg4 : memref<112xi32, #tpu.memory_space<hbm>>) target(%arg13 : memref<112xi32, #tpu.memory_space<vmem>>) target_semaphore(%run_scoped3A : memref<!tpu.dma_semaphore, #tpu.memory_space<semaphore_mem>>)
      tpu.wait_dma2 semaphore(%run_scoped3A : memref<!tpu.dma_semaphore, #tpu.memory_space<semaphore_mem>>) src(%arg4 : memref<112xi32, #tpu.memory_space<hbm>>) dst(%arg13 : memref<112xi32, #tpu.memory_space<vmem>>)
      tpu.yield
    }) : () -> ()
    "tpu.region"() ({
      %run_scoped3A = tpu.sem_alloc : memref<!tpu.dma_semaphore, #tpu.memory_space<semaphore_mem>>
      tpu.enqueue_dma source(%arg5 : memref<112xi32, #tpu.memory_space<hbm>>) target(%arg14 : memref<112xi32, #tpu.memory_space<vmem>>) target_semaphore(%run_scoped3A : memref<!tpu.dma_semaphore, #tpu.memory_space<semaphore_mem>>)
      tpu.wait_dma2 semaphore(%run_scoped3A : memref<!tpu.dma_semaphore, #tpu.memory_space<semaphore_mem>>) src(%arg5 : memref<112xi32, #tpu.memory_space<hbm>>) dst(%arg14 : memref<112xi32, #tpu.memory_space<vmem>>)
      tpu.yield
    }) : () -> ()
    "tpu.region"() ({
      %run_scoped3A = tpu.sem_alloc : memref<!tpu.dma_semaphore, #tpu.memory_space<semaphore_mem>>
      tpu.enqueue_dma source(%arg6 : memref<64xf32, #tpu.memory_space<hbm>>) target(%arg15 : memref<64xf32, #tpu.memory_space<vmem>>) target_semaphore(%run_scoped3A : memref<!tpu.dma_semaphore, #tpu.memory_space<semaphore_mem>>)
      tpu.wait_dma2 semaphore(%run_scoped3A : memref<!tpu.dma_semaphore, #tpu.memory_space<semaphore_mem>>) src(%arg6 : memref<64xf32, #tpu.memory_space<hbm>>) dst(%arg15 : memref<64xf32, #tpu.memory_space<vmem>>)
      tpu.yield
    }) : () -> ()
    "tpu.region"() ({
      %run_scoped3A = tpu.sem_alloc : memref<!tpu.dma_semaphore, #tpu.memory_space<semaphore_mem>>
      tpu.enqueue_dma source(%arg7 : memref<16xf32, #tpu.memory_space<hbm>>) target(%arg16 : memref<16xf32, #tpu.memory_space<vmem>>) target_semaphore(%run_scoped3A : memref<!tpu.dma_semaphore, #tpu.memory_space<semaphore_mem>>)
      tpu.wait_dma2 semaphore(%run_scoped3A : memref<!tpu.dma_semaphore, #tpu.memory_space<semaphore_mem>>) src(%arg7 : memref<16xf32, #tpu.memory_space<hbm>>) dst(%arg16 : memref<16xf32, #tpu.memory_space<vmem>>)
      tpu.yield
    }) : () -> ()
    %get3A = arith.constant 0 : index
    %get3A_3 = tpu.vector_load %arg16[%get3A] {strides = array<i32>} : memref<16xf32, #tpu.memory_space<vmem>>, vector<16xf32>,
    %add3A_4 = arith.constant 0 : i32
    %add3A_5 = arith.addi %mul3A_2, %add3A_4 : i32
    %mul3A_6 = arith.constant 1664 : i32
    %mul3A_7 = arith.muli %add3A_5, %mul3A_6 : i32
    %dma_start3A = tpu.memref_slice %arg2[%mul3A_7] : memref<27262976xf32, #tpu.memory_space<hbm>> -> memref<26624xf32, #tpu.memory_space<hbm>>
    %dma_start3A_8 = tpu.memref_slice %arg2[%mul3A_7] : memref<27262976xf32, #tpu.memory_space<hbm>> -> memref<26624xf32, #tpu.memory_space<hbm>>
    tpu.enqueue_dma source(%dma_start3A_8 : memref<26624xf32, #tpu.memory_space<hbm>>) target(%arg9 : memref<26624xf32, #tpu.memory_space<vmem>>) target_semaphore(%arg18 : memref<!tpu.dma_semaphore, #tpu.memory_space<semaphore_mem>>)
    %mul3A_9 = arith.constant 100 : i32
    %mul3A_10 = arith.muli %add3A_5, %mul3A_9 : i32
    %dma_start3A_11 = tpu.memref_slice %arg3[%mul3A_10] : memref<1638400xf32, #tpu.memory_space<hbm>> -> memref<1600xf32, #tpu.memory_space<hbm>>
    %dma_start3A_12 = tpu.memref_slice %arg3[%mul3A_10] : memref<1638400xf32, #tpu.memory_space<hbm>> -> memref<1600xf32, #tpu.memory_space<hbm>>
    tpu.enqueue_dma source(%dma_start3A_12 : memref<1600xf32, #tpu.memory_space<hbm>>) target(%arg11 : memref<1600xf32, #tpu.memory_space<vmem>>) target_semaphore(%arg20 : memref<!tpu.dma_semaphore, #tpu.memory_space<semaphore_mem>>)
    %add3A_13 = arith.constant 16 : i32
    %add3A_14 = arith.addi %mul3A_2, %add3A_13 : i32
    %mul3A_15 = arith.constant 1664 : i32
    %mul3A_16 = arith.muli %add3A_14, %mul3A_15 : i32
    %dma_start3A_17 = tpu.memref_slice %arg2[%mul3A_16] : memref<27262976xf32, #tpu.memory_space<hbm>> -> memref<26624xf32, #tpu.memory_space<hbm>>
    %dma_start3A_18 = tpu.memref_slice %arg2[%mul3A_16] : memref<27262976xf32, #tpu.memory_space<hbm>> -> memref<26624xf32, #tpu.memory_space<hbm>>
    tpu.enqueue_dma source(%dma_start3A_18 : memref<26624xf32, #tpu.memory_space<hbm>>) target(%arg10 : memref<26624xf32, #tpu.memory_space<vmem>>) target_semaphore(%arg19 : memref<!tpu.dma_semaphore, #tpu.memory_space<semaphore_mem>>)
    %mul3A_19 = arith.constant 100 : i32
    %mul3A_20 = arith.muli %add3A_14, %mul3A_19 : i32
    %dma_start3A_21 = tpu.memref_slice %arg3[%mul3A_20] : memref<1638400xf32, #tpu.memory_space<hbm>> -> memref<1600xf32, #tpu.memory_space<hbm>>
    %dma_start3A_22 = tpu.memref_slice %arg3[%mul3A_20] : memref<1638400xf32, #tpu.memory_space<hbm>> -> memref<1600xf32, #tpu.memory_space<hbm>>
    tpu.enqueue_dma source(%dma_start3A_22 : memref<1600xf32, #tpu.memory_space<hbm>>) target(%arg12 : memref<1600xf32, #tpu.memory_space<vmem>>) target_semaphore(%arg21 : memref<!tpu.dma_semaphore, #tpu.memory_space<semaphore_mem>>)
    %scan3A = arith.constant 0 : i32
    %scan3A_23 = arith.constant 0 : i32
    %scan3A_24 = arith.constant 16 : i32
    %scan3A_25 = arith.addi %scan3A_23, %scan3A_24 : i32
    %scan3A_26 = arith.constant 1 : i32
    %scan3A_27 = scf.for %scan3A_29 = %scan3A_23 to %scan3A_25 step %scan3A_26 iter_args(%scan3A_30 = %scan3A) -> (i32)  : i32 {
      %mul3A_31 = arith.constant 2 : i32
      %mul3A_32 = arith.muli %scan3A_29, %mul3A_31 : i32
      %mul3A_33 = arith.constant 16 : i32
      %mul3A_34 = arith.muli %mul3A_32, %mul3A_33 : i32
      %add3A_35 = arith.addi %mul3A_2, %mul3A_34 : i32
      %mul3A_36 = arith.constant 1664 : i32
      %mul3A_37 = arith.muli %add3A_35, %mul3A_36 : i32
      %dma_wait3A = tpu.memref_slice %arg2[%mul3A_37] : memref<27262976xf32, #tpu.memory_space<hbm>> -> memref<26624xf32, #tpu.memory_space<hbm>>
      %dma_wait3A_38 = tpu.memref_slice %arg2[%mul3A_37] : memref<27262976xf32, #tpu.memory_space<hbm>> -> memref<26624xf32, #tpu.memory_space<hbm>>
      tpu.wait_dma2 semaphore(%arg18 : memref<!tpu.dma_semaphore, #tpu.memory_space<semaphore_mem>>) src(%dma_wait3A_38 : memref<26624xf32, #tpu.memory_space<hbm>>) dst(%arg9 : memref<26624xf32, #tpu.memory_space<vmem>>)
      %mul3A_39 = arith.constant 100 : i32
      %mul3A_40 = arith.muli %add3A_35, %mul3A_39 : i32
      %dma_wait3A_41 = tpu.memref_slice %arg3[%mul3A_40] : memref<1638400xf32, #tpu.memory_space<hbm>> -> memref<1600xf32, #tpu.memory_space<hbm>>
      %dma_wait3A_42 = tpu.memref_slice %arg3[%mul3A_40] : memref<1638400xf32, #tpu.memory_space<hbm>> -> memref<1600xf32, #tpu.memory_space<hbm>>
      tpu.wait_dma2 semaphore(%arg20 : memref<!tpu.dma_semaphore, #tpu.memory_space<semaphore_mem>>) src(%dma_wait3A_42 : memref<1600xf32, #tpu.memory_space<hbm>>) dst(%arg11 : memref<1600xf32, #tpu.memory_space<vmem>>)
      %scan3A_43 = arith.constant 0 : i32
      %scan3A_44 = arith.constant 0 : i32
      %scan3A_45 = arith.constant 16 : i32
      %scan3A_46 = arith.addi %scan3A_44, %scan3A_45 : i32
      %scan3A_47 = arith.constant 1 : i32
      %scan3A_48 = scf.for %scan3A_84 = %scan3A_44 to %scan3A_46 step %scan3A_47 iter_args(%scan3A_85 = %scan3A_43) -> (i32)  : i32 {
        %mul3A_86 = arith.constant 1664 : i32
        %mul3A_87 = arith.muli %scan3A_84, %mul3A_86 : i32
        %mul3A_88 = arith.constant 100 : i32
        %mul3A_89 = arith.muli %scan3A_84, %mul3A_88 : i32
        %get3A_90 = arith.constant 0 : index
        %get3A_91 = tpu.vector_load %arg13[%get3A_90] {strides = array<i32>} : memref<112xi32, #tpu.memory_space<vmem>>, vector<16xi32>,
        %add3A_92 = vector.broadcast %mul3A_87 : i32 to vector<16xi32>
        %add3A_93 = arith.addi %get3A_91, %add3A_92 : vector<16xi32>
        %get3A_94 = arith.constant 16 : index
        %get3A_95 = tpu.vector_load %arg13[%get3A_94] {strides = array<i32>} : memref<112xi32, #tpu.memory_space<vmem>>, vector<16xi32>,
        %add3A_96 = vector.broadcast %mul3A_87 : i32 to vector<16xi32>
        %add3A_97 = arith.addi %get3A_95, %add3A_96 : vector<16xi32>
        %get3A_98 = arith.constant 32 : index
        %get3A_99 = tpu.vector_load %arg13[%get3A_98] {strides = array<i32>} : memref<112xi32, #tpu.memory_space<vmem>>, vector<16xi32>,
        %add3A_100 = vector.broadcast %mul3A_87 : i32 to vector<16xi32>
        %add3A_101 = arith.addi %get3A_99, %add3A_100 : vector<16xi32>
        %get3A_102 = arith.constant 48 : index
        %get3A_103 = tpu.vector_load %arg13[%get3A_102] {strides = array<i32>} : memref<112xi32, #tpu.memory_space<vmem>>, vector<16xi32>,
        %add3A_104 = vector.broadcast %mul3A_87 : i32 to vector<16xi32>
        %add3A_105 = arith.addi %get3A_103, %add3A_104 : vector<16xi32>
        %get3A_106 = arith.constant 64 : index
        %get3A_107 = tpu.vector_load %arg13[%get3A_106] {strides = array<i32>} : memref<112xi32, #tpu.memory_space<vmem>>, vector<16xi32>,
        %add3A_108 = vector.broadcast %mul3A_87 : i32 to vector<16xi32>
        %add3A_109 = arith.addi %get3A_107, %add3A_108 : vector<16xi32>
        %get3A_110 = arith.constant 80 : index
        %get3A_111 = tpu.vector_load %arg13[%get3A_110] {strides = array<i32>} : memref<112xi32, #tpu.memory_space<vmem>>, vector<16xi32>,
        %add3A_112 = vector.broadcast %mul3A_87 : i32 to vector<16xi32>
        %add3A_113 = arith.addi %get3A_111, %add3A_112 : vector<16xi32>
        %get3A_114 = arith.constant 96 : index
        %get3A_115 = tpu.vector_load %arg13[%get3A_114] {strides = array<i32>} : memref<112xi32, #tpu.memory_space<vmem>>, vector<16xi32>,
        %add3A_116 = vector.broadcast %mul3A_87 : i32 to vector<16xi32>
        %add3A_117 = arith.addi %get3A_115, %add3A_116 : vector<16xi32>
        %get3A_118 = arith.constant 0 : index
        %get3A_119 = tpu.vector_load %arg14[%get3A_118] {strides = array<i32>} : memref<112xi32, #tpu.memory_space<vmem>>, vector<16xi32>,
        %add3A_120 = vector.broadcast %mul3A_87 : i32 to vector<16xi32>
        %add3A_121 = arith.addi %get3A_119, %add3A_120 : vector<16xi32>
        %get3A_122 = arith.constant 16 : index
        %get3A_123 = tpu.vector_load %arg14[%get3A_122] {strides = array<i32>} : memref<112xi32, #tpu.memory_space<vmem>>, vector<16xi32>,
        %add3A_124 = vector.broadcast %mul3A_87 : i32 to vector<16xi32>
        %add3A_125 = arith.addi %get3A_123, %add3A_124 : vector<16xi32>
        %get3A_126 = arith.constant 32 : index
        %get3A_127 = tpu.vector_load %arg14[%get3A_126] {strides = array<i32>} : memref<112xi32, #tpu.memory_space<vmem>>, vector<16xi32>,
        %add3A_128 = vector.broadcast %mul3A_87 : i32 to vector<16xi32>
        %add3A_129 = arith.addi %get3A_127, %add3A_128 : vector<16xi32>
        %get3A_130 = arith.constant 48 : index
        %get3A_131 = tpu.vector_load %arg14[%get3A_130] {strides = array<i32>} : memref<112xi32, #tpu.memory_space<vmem>>, vector<16xi32>,
        %add3A_132 = vector.broadcast %mul3A_87 : i32 to vector<16xi32>
        %add3A_133 = arith.addi %get3A_131, %add3A_132 : vector<16xi32>
        %get3A_134 = arith.constant 64 : index
        %get3A_135 = tpu.vector_load %arg14[%get3A_134] {strides = array<i32>} : memref<112xi32, #tpu.memory_space<vmem>>, vector<16xi32>,
        %add3A_136 = vector.broadcast %mul3A_87 : i32 to vector<16xi32>
        %add3A_137 = arith.addi %get3A_135, %add3A_136 : vector<16xi32>
        %get3A_138 = arith.constant 80 : index
        %get3A_139 = tpu.vector_load %arg14[%get3A_138] {strides = array<i32>} : memref<112xi32, #tpu.memory_space<vmem>>, vector<16xi32>,
        %add3A_140 = vector.broadcast %mul3A_87 : i32 to vector<16xi32>
        %add3A_141 = arith.addi %get3A_139, %add3A_140 : vector<16xi32>
        %get3A_142 = arith.constant 96 : index
        %get3A_143 = tpu.vector_load %arg14[%get3A_142] {strides = array<i32>} : memref<112xi32, #tpu.memory_space<vmem>>, vector<16xi32>,
        %add3A_144 = vector.broadcast %mul3A_87 : i32 to vector<16xi32>
        %add3A_145 = arith.addi %get3A_143, %add3A_144 : vector<16xi32>
        %iota3A = tpu.iota {dimensions = array<i32: 0>} : vector<16xi32>
        %broadcast_in_dim3A = arith.constant 0.000000e+00 : f32
        %broadcast_in_dim3A_146 = vector.broadcast %broadcast_in_dim3A : f32 to vector<16xf32>
        %broadcast_in_dim3A_147 = arith.constant 0.000000e+00 : f32
        %broadcast_in_dim3A_148 = vector.broadcast %broadcast_in_dim3A_147 : f32 to vector<16xf32>
        %broadcast_in_dim3A_149 = arith.constant 0.000000e+00 : f32
        %broadcast_in_dim3A_150 = vector.broadcast %broadcast_in_dim3A_149 : f32 to vector<16xf32>
        %broadcast_in_dim3A_151 = arith.constant 0.000000e+00 : f32
        %broadcast_in_dim3A_152 = vector.broadcast %broadcast_in_dim3A_151 : f32 to vector<16xf32>
        %broadcast_in_dim3A_153 = arith.constant 0.000000e+00 : f32
        %broadcast_in_dim3A_154 = vector.broadcast %broadcast_in_dim3A_153 : f32 to vector<16xf32>
        %broadcast_in_dim3A_155 = arith.constant 0.000000e+00 : f32
        %broadcast_in_dim3A_156 = vector.broadcast %broadcast_in_dim3A_155 : f32 to vector<16xf32>
        %broadcast_in_dim3A_157 = arith.constant 0.000000e+00 : f32
        %broadcast_in_dim3A_158 = vector.broadcast %broadcast_in_dim3A_157 : f32 to vector<16xf32>
        %parallel_loop3A = arith.constant 0 : i32
        %parallel_loop3A_159 = arith.constant 64 : i32
        %parallel_loop3A_160 = arith.constant 1 : i32
        %parallel_loop3A_161:7 = scf.for %parallel_loop3A_225 = %parallel_loop3A to %parallel_loop3A_159 step %parallel_loop3A_160 iter_args(%parallel_loop3A_226 = %broadcast_in_dim3A_146, %parallel_loop3A_227 = %broadcast_in_dim3A_148, %parallel_loop3A_228 = %broadcast_in_dim3A_150, %parallel_loop3A_229 = %broadcast_in_dim3A_152, %parallel_loop3A_230 = %broadcast_in_dim3A_154, %parallel_loop3A_231 = %broadcast_in_dim3A_156, %parallel_loop3A_232 = %broadcast_in_dim3A_158) -> (vector<16xf32>, vector<16xf32>, vector<16xf32>, vector<16xf32>, vector<16xf32>, vector<16xf32>, vector<16xf32>)  : i32 {
          %parallel_loop3A_233 = vector.broadcast %parallel_loop3A_225 : i32 to vector<16xi32>
          %parallel_loop3A_234 = arith.addi %iota3A, %parallel_loop3A_233 : vector<16xi32>
          %parallel_loop3A_235 = arith.constant 63 : i32
          %parallel_loop3A_236 = vector.broadcast %parallel_loop3A_235 : i32 to vector<16xi32>
          %parallel_loop3A_237 = arith.andi %parallel_loop3A_234, %parallel_loop3A_236 : vector<16xi32>
          %parallel_loop3A_238 = tpu.vector_load_idx %arg15[%parallel_loop3A_237] : memref<64xf32, #tpu.memory_space<vmem>>[vector<16xi32>], vector<16xf32>,
          %parallel_loop3A_239 = arith.addi %add3A_93, %parallel_loop3A_237 : vector<16xi32>
          %parallel_loop3A_240 = tpu.vector_load_idx %arg9[%parallel_loop3A_239] : memref<26624xf32, #tpu.memory_space<vmem>>[vector<16xi32>], vector<16xf32>,
          %parallel_loop3A_241 = arith.addi %add3A_121, %parallel_loop3A_237 : vector<16xi32>
          %parallel_loop3A_242 = tpu.vector_load_idx %arg9[%parallel_loop3A_241] : memref<26624xf32, #tpu.memory_space<vmem>>[vector<16xi32>], vector<16xf32>,
          %parallel_loop3A_243 = arith.mulf %parallel_loop3A_240, %parallel_loop3A_242 : vector<16xf32>
          %parallel_loop3A_244 = arith.mulf %parallel_loop3A_243, %parallel_loop3A_238 : vector<16xf32>
          %parallel_loop3A_245 = arith.addf %parallel_loop3A_226, %parallel_loop3A_244 : vector<16xf32>
          %parallel_loop3A_246 = arith.addi %add3A_97, %parallel_loop3A_237 : vector<16xi32>
          %parallel_loop3A_247 = tpu.vector_load_idx %arg9[%parallel_loop3A_246] : memref<26624xf32, #tpu.memory_space<vmem>>[vector<16xi32>], vector<16xf32>,
          %parallel_loop3A_248 = arith.addi %add3A_125, %parallel_loop3A_237 : vector<16xi32>
          %parallel_loop3A_249 = tpu.vector_load_idx %arg9[%parallel_loop3A_248] : memref<26624xf32, #tpu.memory_space<vmem>>[vector<16xi32>], vector<16xf32>,
          %parallel_loop3A_250 = arith.mulf %parallel_loop3A_247, %parallel_loop3A_249 : vector<16xf32>
          %parallel_loop3A_251 = arith.mulf %parallel_loop3A_250, %parallel_loop3A_238 : vector<16xf32>
          %parallel_loop3A_252 = arith.addf %parallel_loop3A_227, %parallel_loop3A_251 : vector<16xf32>
          %parallel_loop3A_253 = arith.addi %add3A_101, %parallel_loop3A_237 : vector<16xi32>
          %parallel_loop3A_254 = tpu.vector_load_idx %arg9[%parallel_loop3A_253] : memref<26624xf32, #tpu.memory_space<vmem>>[vector<16xi32>], vector<16xf32>,
          %parallel_loop3A_255 = arith.addi %add3A_129, %parallel_loop3A_237 : vector<16xi32>
          %parallel_loop3A_256 = tpu.vector_load_idx %arg9[%parallel_loop3A_255] : memref<26624xf32, #tpu.memory_space<vmem>>[vector<16xi32>], vector<16xf32>,
          %parallel_loop3A_257 = arith.mulf %parallel_loop3A_254, %parallel_loop3A_256 : vector<16xf32>
          %parallel_loop3A_258 = arith.mulf %parallel_loop3A_257, %parallel_loop3A_238 : vector<16xf32>
          %parallel_loop3A_259 = arith.addf %parallel_loop3A_228, %parallel_loop3A_258 : vector<16xf32>
          %parallel_loop3A_260 = arith.addi %add3A_105, %parallel_loop3A_237 : vector<16xi32>
          %parallel_loop3A_261 = tpu.vector_load_idx %arg9[%parallel_loop3A_260] : memref<26624xf32, #tpu.memory_space<vmem>>[vector<16xi32>], vector<16xf32>,
          %parallel_loop3A_262 = arith.addi %add3A_133, %parallel_loop3A_237 : vector<16xi32>
          %parallel_loop3A_263 = tpu.vector_load_idx %arg9[%parallel_loop3A_262] : memref<26624xf32, #tpu.memory_space<vmem>>[vector<16xi32>], vector<16xf32>,
          %parallel_loop3A_264 = arith.mulf %parallel_loop3A_261, %parallel_loop3A_263 : vector<16xf32>
          %parallel_loop3A_265 = arith.mulf %parallel_loop3A_264, %parallel_loop3A_238 : vector<16xf32>
          %parallel_loop3A_266 = arith.addf %parallel_loop3A_229, %parallel_loop3A_265 : vector<16xf32>
          %parallel_loop3A_267 = arith.addi %add3A_109, %parallel_loop3A_237 : vector<16xi32>
          %parallel_loop3A_268 = tpu.vector_load_idx %arg9[%parallel_loop3A_267] : memref<26624xf32, #tpu.memory_space<vmem>>[vector<16xi32>], vector<16xf32>,
          %parallel_loop3A_269 = arith.addi %add3A_137, %parallel_loop3A_237 : vector<16xi32>
          %parallel_loop3A_270 = tpu.vector_load_idx %arg9[%parallel_loop3A_269] : memref<26624xf32, #tpu.memory_space<vmem>>[vector<16xi32>], vector<16xf32>,
          %parallel_loop3A_271 = arith.mulf %parallel_loop3A_268, %parallel_loop3A_270 : vector<16xf32>
          %parallel_loop3A_272 = arith.mulf %parallel_loop3A_271, %parallel_loop3A_238 : vector<16xf32>
          %parallel_loop3A_273 = arith.addf %parallel_loop3A_230, %parallel_loop3A_272 : vector<16xf32>
          %parallel_loop3A_274 = arith.addi %add3A_113, %parallel_loop3A_237 : vector<16xi32>
          %parallel_loop3A_275 = tpu.vector_load_idx %arg9[%parallel_loop3A_274] : memref<26624xf32, #tpu.memory_space<vmem>>[vector<16xi32>], vector<16xf32>,
          %parallel_loop3A_276 = arith.addi %add3A_141, %parallel_loop3A_237 : vector<16xi32>
          %parallel_loop3A_277 = tpu.vector_load_idx %arg9[%parallel_loop3A_276] : memref<26624xf32, #tpu.memory_space<vmem>>[vector<16xi32>], vector<16xf32>,
          %parallel_loop3A_278 = arith.mulf %parallel_loop3A_275, %parallel_loop3A_277 : vector<16xf32>
          %parallel_loop3A_279 = arith.mulf %parallel_loop3A_278, %parallel_loop3A_238 : vector<16xf32>
          %parallel_loop3A_280 = arith.addf %parallel_loop3A_231, %parallel_loop3A_279 : vector<16xf32>
          %parallel_loop3A_281 = arith.addi %add3A_117, %parallel_loop3A_237 : vector<16xi32>
          %parallel_loop3A_282 = tpu.vector_load_idx %arg9[%parallel_loop3A_281] : memref<26624xf32, #tpu.memory_space<vmem>>[vector<16xi32>], vector<16xf32>,
          %parallel_loop3A_283 = arith.addi %add3A_145, %parallel_loop3A_237 : vector<16xi32>
          %parallel_loop3A_284 = tpu.vector_load_idx %arg9[%parallel_loop3A_283] : memref<26624xf32, #tpu.memory_space<vmem>>[vector<16xi32>], vector<16xf32>,
          %parallel_loop3A_285 = arith.mulf %parallel_loop3A_282, %parallel_loop3A_284 : vector<16xf32>
          %parallel_loop3A_286 = arith.mulf %parallel_loop3A_285, %parallel_loop3A_238 : vector<16xf32>
          %parallel_loop3A_287 = arith.addf %parallel_loop3A_232, %parallel_loop3A_286 : vector<16xf32>
          scf.yield %parallel_loop3A_245, %parallel_loop3A_252, %parallel_loop3A_259, %parallel_loop3A_266, %parallel_loop3A_273, %parallel_loop3A_280, %parallel_loop3A_287 : vector<16xf32>, vector<16xf32>, vector<16xf32>, vector<16xf32>, vector<16xf32>, vector<16xf32>, vector<16xf32>
        } {sc.loop_unroll_factor = 1 : i64, sc.parallel_access}
        %add3A_162 = arith.constant 0 : i32
        %add3A_163 = arith.addi %mul3A_89, %add3A_162 : i32
        %get3A_164 = arith.index_cast %add3A_163 : i32 to index
        %get3A_165 = tpu.vector_load %arg11[%get3A_164] {strides = array<i32>} : memref<1600xf32, #tpu.memory_space<vmem>>, vector<16xf32>,
        %mul3A_166 = arith.mulf %parallel_loop3A_161#0, %get3A_165 : vector<16xf32>
        %add3A_167 = arith.addf %get3A_3, %mul3A_166 : vector<16xf32>
        %add3A_168 = arith.constant 16 : i32
        %add3A_169 = arith.addi %mul3A_89, %add3A_168 : i32
        %get3A_170 = arith.index_cast %add3A_169 : i32 to index
        %get3A_171 = tpu.vector_load %arg11[%get3A_170] {strides = array<i32>} : memref<1600xf32, #tpu.memory_space<vmem>>, vector<16xf32>,
        %mul3A_172 = arith.mulf %parallel_loop3A_161#1, %get3A_171 : vector<16xf32>
        %add3A_173 = arith.addf %add3A_167, %mul3A_172 : vector<16xf32>
        %add3A_174 = arith.constant 32 : i32
        %add3A_175 = arith.addi %mul3A_89, %add3A_174 : i32
        %get3A_176 = arith.index_cast %add3A_175 : i32 to index
        %get3A_177 = tpu.vector_load %arg11[%get3A_176] {strides = array<i32>} : memref<1600xf32, #tpu.memory_space<vmem>>, vector<16xf32>,
        %mul3A_178 = arith.mulf %parallel_loop3A_161#2, %get3A_177 : vector<16xf32>
        %add3A_179 = arith.addf %add3A_173, %mul3A_178 : vector<16xf32>
        %add3A_180 = arith.constant 48 : i32
        %add3A_181 = arith.addi %mul3A_89, %add3A_180 : i32
        %get3A_182 = arith.index_cast %add3A_181 : i32 to index
        %get3A_183 = tpu.vector_load %arg11[%get3A_182] {strides = array<i32>} : memref<1600xf32, #tpu.memory_space<vmem>>, vector<16xf32>,
        %mul3A_184 = arith.mulf %parallel_loop3A_161#3, %get3A_183 : vector<16xf32>
        %add3A_185 = arith.addf %add3A_179, %mul3A_184 : vector<16xf32>
        %add3A_186 = arith.constant 64 : i32
        %add3A_187 = arith.addi %mul3A_89, %add3A_186 : i32
        %get3A_188 = arith.index_cast %add3A_187 : i32 to index
        %get3A_189 = tpu.vector_load %arg11[%get3A_188] {strides = array<i32>} : memref<1600xf32, #tpu.memory_space<vmem>>, vector<16xf32>,
        %mul3A_190 = arith.mulf %parallel_loop3A_161#4, %get3A_189 : vector<16xf32>
        %add3A_191 = arith.addf %add3A_185, %mul3A_190 : vector<16xf32>
        %add3A_192 = arith.constant 80 : i32
        %add3A_193 = arith.addi %mul3A_89, %add3A_192 : i32
        %get3A_194 = arith.index_cast %add3A_193 : i32 to index
        %get3A_195 = tpu.vector_load %arg11[%get3A_194] {strides = array<i32>} : memref<1600xf32, #tpu.memory_space<vmem>>, vector<16xf32>,
        %mul3A_196 = arith.mulf %parallel_loop3A_161#5, %get3A_195 : vector<16xf32>
        %add3A_197 = arith.addf %add3A_191, %mul3A_196 : vector<16xf32>
        %add3A_198 = arith.constant 84 : i32
        %add3A_199 = arith.addi %mul3A_89, %add3A_198 : i32
        %get3A_200 = arith.index_cast %add3A_199 : i32 to index
        %get3A_201 = tpu.vector_load %arg11[%get3A_200] {strides = array<i32>} : memref<1600xf32, #tpu.memory_space<vmem>>, vector<16xf32>,
        %ge3A = arith.constant 12 : i32
        %ge3A_202 = vector.broadcast %ge3A : i32 to vector<16xi32>
        %ge3A_203 = arith.cmpi sge, %iota3A, %ge3A_202 : vector<16xi32>
        %jit3A = arith.constant 0.000000e+00 : f32
        %broadcast_in_dim3A_204 = vector.broadcast %jit3A : f32 to vector<16xf32>
        %select_n3A = arith.select %ge3A_203, %get3A_201, %broadcast_in_dim3A_204 : vector<16xi1>, vector<16xf32>
        %mul3A_205 = arith.mulf %parallel_loop3A_161#6, %select_n3A : vector<16xf32>
        %add3A_206 = arith.addf %add3A_197, %mul3A_205 : vector<16xf32>
        %reduce_sum3A = arith.constant true
        %reduce_sum3A_207 = vector.broadcast %reduce_sum3A : i1 to vector<16xi1>
        %reduce_sum3A_208 = tpu.scan <sum>, %add3A_206 masked %reduce_sum3A_207 : vector<16xf32>, vector<16xi1> -> vector<16xf32>
        %reduce_sum3A_209 = vector.extract %reduce_sum3A_208[15] : f32 from vector<16xf32>
        %iota3A_210 = tpu.iota {dimensions = array<i32: 0>} : vector<16xi32>
        %broadcast_in_dim3A_211 = arith.constant 0 : i32
        %broadcast_in_dim3A_212 = vector.broadcast %broadcast_in_dim3A_211 : i32 to vector<16xi32>
        %mul3A_213 = arith.constant 16 : i32
        %mul3A_214 = arith.muli %mul3A_32, %mul3A_213 : i32
        %add3A_215 = arith.addi %mul3A_214, %scan3A_84 : i32
        %add3A_216 = vector.broadcast %add3A_215 : i32 to vector<16xi32>
        %add3A_217 = arith.addi %broadcast_in_dim3A_212, %add3A_216 : vector<16xi32>
        %broadcast_in_dim3A_218 = arith.constant 0.000000e+00 : f32
        %broadcast_in_dim3A_219 = vector.broadcast %broadcast_in_dim3A_218 : f32 to vector<16xf32>
        %add3A_220 = vector.broadcast %reduce_sum3A_209 : f32 to vector<16xf32>
        %add3A_221 = arith.addf %broadcast_in_dim3A_219, %add3A_220 : vector<16xf32>
        %eq3A = arith.constant 0 : i32
        %eq3A_222 = vector.broadcast %eq3A : i32 to vector<16xi32>
        %eq3A_223 = arith.cmpi eq, %iota3A_210, %eq3A_222 : vector<16xi32>
        tpu.vector_store_idx %arg17[%add3A_217], %add3A_221 masked %eq3A_223 : memref<512xf32, #tpu.memory_space<vmem>>[vector<16xi32>], vector<16xf32>, vector<16xi1>
        %scan3A_224 = arith.constant 0 : i32
        scf.yield %scan3A_224 : i32
      }
      %scan3A_49 = arith.constant 16 : i32
      %add3A_50 = arith.constant 2 : i32
      %add3A_51 = arith.addi %mul3A_32, %add3A_50 : i32
      %lt3A = arith.constant 32 : i32
      %lt3A_52 = arith.cmpi slt, %add3A_51, %lt3A : i32
      %convert_element_type3A = arith.extui %lt3A_52 : i1 to i32
      %cond3A = arith.constant 0 : i32
      %cond3A_53 = arith.cmpi ne, %convert_element_type3A, %cond3A : i32
      scf.if %cond3A_53 {
        %add3A_84 = arith.constant 2 : i32
        %add3A_85 = arith.addi %mul3A_32, %add3A_84 : i32
        %mul3A_86 = arith.constant 16 : i32
        %mul3A_87 = arith.muli %add3A_85, %mul3A_86 : i32
        %add3A_88 = arith.addi %mul3A_2, %mul3A_87 : i32
        %mul3A_89 = arith.constant 1664 : i32
        %mul3A_90 = arith.muli %add3A_88, %mul3A_89 : i32
        %dma_start3A_91 = tpu.memref_slice %arg2[%mul3A_90] : memref<27262976xf32, #tpu.memory_space<hbm>> -> memref<26624xf32, #tpu.memory_space<hbm>>
        %dma_start3A_92 = tpu.memref_slice %arg2[%mul3A_90] : memref<27262976xf32, #tpu.memory_space<hbm>> -> memref<26624xf32, #tpu.memory_space<hbm>>
        tpu.enqueue_dma source(%dma_start3A_92 : memref<26624xf32, #tpu.memory_space<hbm>>) target(%arg9 : memref<26624xf32, #tpu.memory_space<vmem>>) target_semaphore(%arg18 : memref<!tpu.dma_semaphore, #tpu.memory_space<semaphore_mem>>)
        %mul3A_93 = arith.constant 100 : i32
        %mul3A_94 = arith.muli %add3A_88, %mul3A_93 : i32
        %dma_start3A_95 = tpu.memref_slice %arg3[%mul3A_94] : memref<1638400xf32, #tpu.memory_space<hbm>> -> memref<1600xf32, #tpu.memory_space<hbm>>
        %dma_start3A_96 = tpu.memref_slice %arg3[%mul3A_94] : memref<1638400xf32, #tpu.memory_space<hbm>> -> memref<1600xf32, #tpu.memory_space<hbm>>
        tpu.enqueue_dma source(%dma_start3A_96 : memref<1600xf32, #tpu.memory_space<hbm>>) target(%arg11 : memref<1600xf32, #tpu.memory_space<vmem>>) target_semaphore(%arg20 : memref<!tpu.dma_semaphore, #tpu.memory_space<semaphore_mem>>)
      } else {
      }
      %mul3A_54 = arith.constant 2 : i32
      %mul3A_55 = arith.muli %scan3A_29, %mul3A_54 : i32
      %add3A_56 = arith.constant 1 : i32
      %add3A_57 = arith.addi %mul3A_55, %add3A_56 : i32
      %mul3A_58 = arith.constant 16 : i32
      %mul3A_59 = arith.muli %add3A_57, %mul3A_58 : i32
      %add3A_60 = arith.addi %mul3A_2, %mul3A_59 : i32
      %mul3A_61 = arith.constant 1664 : i32
      %mul3A_62 = arith.muli %add3A_60, %mul3A_61 : i32
      %dma_wait3A_63 = tpu.memref_slice %arg2[%mul3A_62] : memref<27262976xf32, #tpu.memory_space<hbm>> -> memref<26624xf32, #tpu.memory_space<hbm>>
      %dma_wait3A_64 = tpu.memref_slice %arg2[%mul3A_62] : memref<27262976xf32, #tpu.memory_space<hbm>> -> memref<26624xf32, #tpu.memory_space<hbm>>
      tpu.wait_dma2 semaphore(%arg19 : memref<!tpu.dma_semaphore, #tpu.memory_space<semaphore_mem>>) src(%dma_wait3A_64 : memref<26624xf32, #tpu.memory_space<hbm>>) dst(%arg10 : memref<26624xf32, #tpu.memory_space<vmem>>)
      %mul3A_65 = arith.constant 100 : i32
      %mul3A_66 = arith.muli %add3A_60, %mul3A_65 : i32
      %dma_wait3A_67 = tpu.memref_slice %arg3[%mul3A_66] : memref<1638400xf32, #tpu.memory_space<hbm>> -> memref<1600xf32, #tpu.memory_space<hbm>>
      %dma_wait3A_68 = tpu.memref_slice %arg3[%mul3A_66] : memref<1638400xf32, #tpu.memory_space<hbm>> -> memref<1600xf32, #tpu.memory_space<hbm>>
      tpu.wait_dma2 semaphore(%arg21 : memref<!tpu.dma_semaphore, #tpu.memory_space<semaphore_mem>>) src(%dma_wait3A_68 : memref<1600xf32, #tpu.memory_space<hbm>>) dst(%arg12 : memref<1600xf32, #tpu.memory_space<vmem>>)
      %scan3A_69 = arith.constant 0 : i32
      %scan3A_70 = arith.constant 0 : i32
      %scan3A_71 = arith.constant 16 : i32
      %scan3A_72 = arith.addi %scan3A_70, %scan3A_71 : i32
      %scan3A_73 = arith.constant 1 : i32
      %scan3A_74 = scf.for %scan3A_84 = %scan3A_70 to %scan3A_72 step %scan3A_73 iter_args(%scan3A_85 = %scan3A_69) -> (i32)  : i32 {
        %mul3A_86 = arith.constant 1664 : i32
        %mul3A_87 = arith.muli %scan3A_84, %mul3A_86 : i32
        %mul3A_88 = arith.constant 100 : i32
        %mul3A_89 = arith.muli %scan3A_84, %mul3A_88 : i32
        %get3A_90 = arith.constant 0 : index
        %get3A_91 = tpu.vector_load %arg13[%get3A_90] {strides = array<i32>} : memref<112xi32, #tpu.memory_space<vmem>>, vector<16xi32>,
        %add3A_92 = vector.broadcast %mul3A_87 : i32 to vector<16xi32>
        %add3A_93 = arith.addi %get3A_91, %add3A_92 : vector<16xi32>
        %get3A_94 = arith.constant 16 : index
        %get3A_95 = tpu.vector_load %arg13[%get3A_94] {strides = array<i32>} : memref<112xi32, #tpu.memory_space<vmem>>, vector<16xi32>,
        %add3A_96 = vector.broadcast %mul3A_87 : i32 to vector<16xi32>
        %add3A_97 = arith.addi %get3A_95, %add3A_96 : vector<16xi32>
        %get3A_98 = arith.constant 32 : index
        %get3A_99 = tpu.vector_load %arg13[%get3A_98] {strides = array<i32>} : memref<112xi32, #tpu.memory_space<vmem>>, vector<16xi32>,
        %add3A_100 = vector.broadcast %mul3A_87 : i32 to vector<16xi32>
        %add3A_101 = arith.addi %get3A_99, %add3A_100 : vector<16xi32>
        %get3A_102 = arith.constant 48 : index
        %get3A_103 = tpu.vector_load %arg13[%get3A_102] {strides = array<i32>} : memref<112xi32, #tpu.memory_space<vmem>>, vector<16xi32>,
        %add3A_104 = vector.broadcast %mul3A_87 : i32 to vector<16xi32>
        %add3A_105 = arith.addi %get3A_103, %add3A_104 : vector<16xi32>
        %get3A_106 = arith.constant 64 : index
        %get3A_107 = tpu.vector_load %arg13[%get3A_106] {strides = array<i32>} : memref<112xi32, #tpu.memory_space<vmem>>, vector<16xi32>,
        %add3A_108 = vector.broadcast %mul3A_87 : i32 to vector<16xi32>
        %add3A_109 = arith.addi %get3A_107, %add3A_108 : vector<16xi32>
        %get3A_110 = arith.constant 80 : index
        %get3A_111 = tpu.vector_load %arg13[%get3A_110] {strides = array<i32>} : memref<112xi32, #tpu.memory_space<vmem>>, vector<16xi32>,
        %add3A_112 = vector.broadcast %mul3A_87 : i32 to vector<16xi32>
        %add3A_113 = arith.addi %get3A_111, %add3A_112 : vector<16xi32>
        %get3A_114 = arith.constant 96 : index
        %get3A_115 = tpu.vector_load %arg13[%get3A_114] {strides = array<i32>} : memref<112xi32, #tpu.memory_space<vmem>>, vector<16xi32>,
        %add3A_116 = vector.broadcast %mul3A_87 : i32 to vector<16xi32>
        %add3A_117 = arith.addi %get3A_115, %add3A_116 : vector<16xi32>
        %get3A_118 = arith.constant 0 : index
        %get3A_119 = tpu.vector_load %arg14[%get3A_118] {strides = array<i32>} : memref<112xi32, #tpu.memory_space<vmem>>, vector<16xi32>,
        %add3A_120 = vector.broadcast %mul3A_87 : i32 to vector<16xi32>
        %add3A_121 = arith.addi %get3A_119, %add3A_120 : vector<16xi32>
        %get3A_122 = arith.constant 16 : index
        %get3A_123 = tpu.vector_load %arg14[%get3A_122] {strides = array<i32>} : memref<112xi32, #tpu.memory_space<vmem>>, vector<16xi32>,
        %add3A_124 = vector.broadcast %mul3A_87 : i32 to vector<16xi32>
        %add3A_125 = arith.addi %get3A_123, %add3A_124 : vector<16xi32>
        %get3A_126 = arith.constant 32 : index
        %get3A_127 = tpu.vector_load %arg14[%get3A_126] {strides = array<i32>} : memref<112xi32, #tpu.memory_space<vmem>>, vector<16xi32>,
        %add3A_128 = vector.broadcast %mul3A_87 : i32 to vector<16xi32>
        %add3A_129 = arith.addi %get3A_127, %add3A_128 : vector<16xi32>
        %get3A_130 = arith.constant 48 : index
        %get3A_131 = tpu.vector_load %arg14[%get3A_130] {strides = array<i32>} : memref<112xi32, #tpu.memory_space<vmem>>, vector<16xi32>,
        %add3A_132 = vector.broadcast %mul3A_87 : i32 to vector<16xi32>
        %add3A_133 = arith.addi %get3A_131, %add3A_132 : vector<16xi32>
        %get3A_134 = arith.constant 64 : index
        %get3A_135 = tpu.vector_load %arg14[%get3A_134] {strides = array<i32>} : memref<112xi32, #tpu.memory_space<vmem>>, vector<16xi32>,
        %add3A_136 = vector.broadcast %mul3A_87 : i32 to vector<16xi32>
        %add3A_137 = arith.addi %get3A_135, %add3A_136 : vector<16xi32>
        %get3A_138 = arith.constant 80 : index
        %get3A_139 = tpu.vector_load %arg14[%get3A_138] {strides = array<i32>} : memref<112xi32, #tpu.memory_space<vmem>>, vector<16xi32>,
        %add3A_140 = vector.broadcast %mul3A_87 : i32 to vector<16xi32>
        %add3A_141 = arith.addi %get3A_139, %add3A_140 : vector<16xi32>
        %get3A_142 = arith.constant 96 : index
        %get3A_143 = tpu.vector_load %arg14[%get3A_142] {strides = array<i32>} : memref<112xi32, #tpu.memory_space<vmem>>, vector<16xi32>,
        %add3A_144 = vector.broadcast %mul3A_87 : i32 to vector<16xi32>
        %add3A_145 = arith.addi %get3A_143, %add3A_144 : vector<16xi32>
        %iota3A = tpu.iota {dimensions = array<i32: 0>} : vector<16xi32>
        %broadcast_in_dim3A = arith.constant 0.000000e+00 : f32
        %broadcast_in_dim3A_146 = vector.broadcast %broadcast_in_dim3A : f32 to vector<16xf32>
        %broadcast_in_dim3A_147 = arith.constant 0.000000e+00 : f32
        %broadcast_in_dim3A_148 = vector.broadcast %broadcast_in_dim3A_147 : f32 to vector<16xf32>
        %broadcast_in_dim3A_149 = arith.constant 0.000000e+00 : f32
        %broadcast_in_dim3A_150 = vector.broadcast %broadcast_in_dim3A_149 : f32 to vector<16xf32>
        %broadcast_in_dim3A_151 = arith.constant 0.000000e+00 : f32
        %broadcast_in_dim3A_152 = vector.broadcast %broadcast_in_dim3A_151 : f32 to vector<16xf32>
        %broadcast_in_dim3A_153 = arith.constant 0.000000e+00 : f32
        %broadcast_in_dim3A_154 = vector.broadcast %broadcast_in_dim3A_153 : f32 to vector<16xf32>
        %broadcast_in_dim3A_155 = arith.constant 0.000000e+00 : f32
        %broadcast_in_dim3A_156 = vector.broadcast %broadcast_in_dim3A_155 : f32 to vector<16xf32>
        %broadcast_in_dim3A_157 = arith.constant 0.000000e+00 : f32
        %broadcast_in_dim3A_158 = vector.broadcast %broadcast_in_dim3A_157 : f32 to vector<16xf32>
        %parallel_loop3A = arith.constant 0 : i32
        %parallel_loop3A_159 = arith.constant 64 : i32
        %parallel_loop3A_160 = arith.constant 1 : i32
        %parallel_loop3A_161:7 = scf.for %parallel_loop3A_225 = %parallel_loop3A to %parallel_loop3A_159 step %parallel_loop3A_160 iter_args(%parallel_loop3A_226 = %broadcast_in_dim3A_146, %parallel_loop3A_227 = %broadcast_in_dim3A_148, %parallel_loop3A_228 = %broadcast_in_dim3A_150, %parallel_loop3A_229 = %broadcast_in_dim3A_152, %parallel_loop3A_230 = %broadcast_in_dim3A_154, %parallel_loop3A_231 = %broadcast_in_dim3A_156, %parallel_loop3A_232 = %broadcast_in_dim3A_158) -> (vector<16xf32>, vector<16xf32>, vector<16xf32>, vector<16xf32>, vector<16xf32>, vector<16xf32>, vector<16xf32>)  : i32 {
          %parallel_loop3A_233 = vector.broadcast %parallel_loop3A_225 : i32 to vector<16xi32>
          %parallel_loop3A_234 = arith.addi %iota3A, %parallel_loop3A_233 : vector<16xi32>
          %parallel_loop3A_235 = arith.constant 63 : i32
          %parallel_loop3A_236 = vector.broadcast %parallel_loop3A_235 : i32 to vector<16xi32>
          %parallel_loop3A_237 = arith.andi %parallel_loop3A_234, %parallel_loop3A_236 : vector<16xi32>
          %parallel_loop3A_238 = tpu.vector_load_idx %arg15[%parallel_loop3A_237] : memref<64xf32, #tpu.memory_space<vmem>>[vector<16xi32>], vector<16xf32>,
          %parallel_loop3A_239 = arith.addi %add3A_93, %parallel_loop3A_237 : vector<16xi32>
          %parallel_loop3A_240 = tpu.vector_load_idx %arg10[%parallel_loop3A_239] : memref<26624xf32, #tpu.memory_space<vmem>>[vector<16xi32>], vector<16xf32>,
          %parallel_loop3A_241 = arith.addi %add3A_121, %parallel_loop3A_237 : vector<16xi32>
          %parallel_loop3A_242 = tpu.vector_load_idx %arg10[%parallel_loop3A_241] : memref<26624xf32, #tpu.memory_space<vmem>>[vector<16xi32>], vector<16xf32>,
          %parallel_loop3A_243 = arith.mulf %parallel_loop3A_240, %parallel_loop3A_242 : vector<16xf32>
          %parallel_loop3A_244 = arith.mulf %parallel_loop3A_243, %parallel_loop3A_238 : vector<16xf32>
          %parallel_loop3A_245 = arith.addf %parallel_loop3A_226, %parallel_loop3A_244 : vector<16xf32>
          %parallel_loop3A_246 = arith.addi %add3A_97, %parallel_loop3A_237 : vector<16xi32>
          %parallel_loop3A_247 = tpu.vector_load_idx %arg10[%parallel_loop3A_246] : memref<26624xf32, #tpu.memory_space<vmem>>[vector<16xi32>], vector<16xf32>,
          %parallel_loop3A_248 = arith.addi %add3A_125, %parallel_loop3A_237 : vector<16xi32>
          %parallel_loop3A_249 = tpu.vector_load_idx %arg10[%parallel_loop3A_248] : memref<26624xf32, #tpu.memory_space<vmem>>[vector<16xi32>], vector<16xf32>,
          %parallel_loop3A_250 = arith.mulf %parallel_loop3A_247, %parallel_loop3A_249 : vector<16xf32>
          %parallel_loop3A_251 = arith.mulf %parallel_loop3A_250, %parallel_loop3A_238 : vector<16xf32>
          %parallel_loop3A_252 = arith.addf %parallel_loop3A_227, %parallel_loop3A_251 : vector<16xf32>
          %parallel_loop3A_253 = arith.addi %add3A_101, %parallel_loop3A_237 : vector<16xi32>
          %parallel_loop3A_254 = tpu.vector_load_idx %arg10[%parallel_loop3A_253] : memref<26624xf32, #tpu.memory_space<vmem>>[vector<16xi32>], vector<16xf32>,
          %parallel_loop3A_255 = arith.addi %add3A_129, %parallel_loop3A_237 : vector<16xi32>
          %parallel_loop3A_256 = tpu.vector_load_idx %arg10[%parallel_loop3A_255] : memref<26624xf32, #tpu.memory_space<vmem>>[vector<16xi32>], vector<16xf32>,
          %parallel_loop3A_257 = arith.mulf %parallel_loop3A_254, %parallel_loop3A_256 : vector<16xf32>
          %parallel_loop3A_258 = arith.mulf %parallel_loop3A_257, %parallel_loop3A_238 : vector<16xf32>
          %parallel_loop3A_259 = arith.addf %parallel_loop3A_228, %parallel_loop3A_258 : vector<16xf32>
          %parallel_loop3A_260 = arith.addi %add3A_105, %parallel_loop3A_237 : vector<16xi32>
          %parallel_loop3A_261 = tpu.vector_load_idx %arg10[%parallel_loop3A_260] : memref<26624xf32, #tpu.memory_space<vmem>>[vector<16xi32>], vector<16xf32>,
          %parallel_loop3A_262 = arith.addi %add3A_133, %parallel_loop3A_237 : vector<16xi32>
          %parallel_loop3A_263 = tpu.vector_load_idx %arg10[%parallel_loop3A_262] : memref<26624xf32, #tpu.memory_space<vmem>>[vector<16xi32>], vector<16xf32>,
          %parallel_loop3A_264 = arith.mulf %parallel_loop3A_261, %parallel_loop3A_263 : vector<16xf32>
          %parallel_loop3A_265 = arith.mulf %parallel_loop3A_264, %parallel_loop3A_238 : vector<16xf32>
          %parallel_loop3A_266 = arith.addf %parallel_loop3A_229, %parallel_loop3A_265 : vector<16xf32>
          %parallel_loop3A_267 = arith.addi %add3A_109, %parallel_loop3A_237 : vector<16xi32>
          %parallel_loop3A_268 = tpu.vector_load_idx %arg10[%parallel_loop3A_267] : memref<26624xf32, #tpu.memory_space<vmem>>[vector<16xi32>], vector<16xf32>,
          %parallel_loop3A_269 = arith.addi %add3A_137, %parallel_loop3A_237 : vector<16xi32>
          %parallel_loop3A_270 = tpu.vector_load_idx %arg10[%parallel_loop3A_269] : memref<26624xf32, #tpu.memory_space<vmem>>[vector<16xi32>], vector<16xf32>,
          %parallel_loop3A_271 = arith.mulf %parallel_loop3A_268, %parallel_loop3A_270 : vector<16xf32>
          %parallel_loop3A_272 = arith.mulf %parallel_loop3A_271, %parallel_loop3A_238 : vector<16xf32>
          %parallel_loop3A_273 = arith.addf %parallel_loop3A_230, %parallel_loop3A_272 : vector<16xf32>
          %parallel_loop3A_274 = arith.addi %add3A_113, %parallel_loop3A_237 : vector<16xi32>
          %parallel_loop3A_275 = tpu.vector_load_idx %arg10[%parallel_loop3A_274] : memref<26624xf32, #tpu.memory_space<vmem>>[vector<16xi32>], vector<16xf32>,
          %parallel_loop3A_276 = arith.addi %add3A_141, %parallel_loop3A_237 : vector<16xi32>
          %parallel_loop3A_277 = tpu.vector_load_idx %arg10[%parallel_loop3A_276] : memref<26624xf32, #tpu.memory_space<vmem>>[vector<16xi32>], vector<16xf32>,
          %parallel_loop3A_278 = arith.mulf %parallel_loop3A_275, %parallel_loop3A_277 : vector<16xf32>
          %parallel_loop3A_279 = arith.mulf %parallel_loop3A_278, %parallel_loop3A_238 : vector<16xf32>
          %parallel_loop3A_280 = arith.addf %parallel_loop3A_231, %parallel_loop3A_279 : vector<16xf32>
          %parallel_loop3A_281 = arith.addi %add3A_117, %parallel_loop3A_237 : vector<16xi32>
          %parallel_loop3A_282 = tpu.vector_load_idx %arg10[%parallel_loop3A_281] : memref<26624xf32, #tpu.memory_space<vmem>>[vector<16xi32>], vector<16xf32>,
          %parallel_loop3A_283 = arith.addi %add3A_145, %parallel_loop3A_237 : vector<16xi32>
          %parallel_loop3A_284 = tpu.vector_load_idx %arg10[%parallel_loop3A_283] : memref<26624xf32, #tpu.memory_space<vmem>>[vector<16xi32>], vector<16xf32>,
          %parallel_loop3A_285 = arith.mulf %parallel_loop3A_282, %parallel_loop3A_284 : vector<16xf32>
          %parallel_loop3A_286 = arith.mulf %parallel_loop3A_285, %parallel_loop3A_238 : vector<16xf32>
          %parallel_loop3A_287 = arith.addf %parallel_loop3A_232, %parallel_loop3A_286 : vector<16xf32>
          scf.yield %parallel_loop3A_245, %parallel_loop3A_252, %parallel_loop3A_259, %parallel_loop3A_266, %parallel_loop3A_273, %parallel_loop3A_280, %parallel_loop3A_287 : vector<16xf32>, vector<16xf32>, vector<16xf32>, vector<16xf32>, vector<16xf32>, vector<16xf32>, vector<16xf32>
        } {sc.loop_unroll_factor = 1 : i64, sc.parallel_access}
        %add3A_162 = arith.constant 0 : i32
        %add3A_163 = arith.addi %mul3A_89, %add3A_162 : i32
        %get3A_164 = arith.index_cast %add3A_163 : i32 to index
        %get3A_165 = tpu.vector_load %arg12[%get3A_164] {strides = array<i32>} : memref<1600xf32, #tpu.memory_space<vmem>>, vector<16xf32>,
        %mul3A_166 = arith.mulf %parallel_loop3A_161#0, %get3A_165 : vector<16xf32>
        %add3A_167 = arith.addf %get3A_3, %mul3A_166 : vector<16xf32>
        %add3A_168 = arith.constant 16 : i32
        %add3A_169 = arith.addi %mul3A_89, %add3A_168 : i32
        %get3A_170 = arith.index_cast %add3A_169 : i32 to index
        %get3A_171 = tpu.vector_load %arg12[%get3A_170] {strides = array<i32>} : memref<1600xf32, #tpu.memory_space<vmem>>, vector<16xf32>,
        %mul3A_172 = arith.mulf %parallel_loop3A_161#1, %get3A_171 : vector<16xf32>
        %add3A_173 = arith.addf %add3A_167, %mul3A_172 : vector<16xf32>
        %add3A_174 = arith.constant 32 : i32
        %add3A_175 = arith.addi %mul3A_89, %add3A_174 : i32
        %get3A_176 = arith.index_cast %add3A_175 : i32 to index
        %get3A_177 = tpu.vector_load %arg12[%get3A_176] {strides = array<i32>} : memref<1600xf32, #tpu.memory_space<vmem>>, vector<16xf32>,
        %mul3A_178 = arith.mulf %parallel_loop3A_161#2, %get3A_177 : vector<16xf32>
        %add3A_179 = arith.addf %add3A_173, %mul3A_178 : vector<16xf32>
        %add3A_180 = arith.constant 48 : i32
        %add3A_181 = arith.addi %mul3A_89, %add3A_180 : i32
        %get3A_182 = arith.index_cast %add3A_181 : i32 to index
        %get3A_183 = tpu.vector_load %arg12[%get3A_182] {strides = array<i32>} : memref<1600xf32, #tpu.memory_space<vmem>>, vector<16xf32>,
        %mul3A_184 = arith.mulf %parallel_loop3A_161#3, %get3A_183 : vector<16xf32>
        %add3A_185 = arith.addf %add3A_179, %mul3A_184 : vector<16xf32>
        %add3A_186 = arith.constant 64 : i32
        %add3A_187 = arith.addi %mul3A_89, %add3A_186 : i32
        %get3A_188 = arith.index_cast %add3A_187 : i32 to index
        %get3A_189 = tpu.vector_load %arg12[%get3A_188] {strides = array<i32>} : memref<1600xf32, #tpu.memory_space<vmem>>, vector<16xf32>,
        %mul3A_190 = arith.mulf %parallel_loop3A_161#4, %get3A_189 : vector<16xf32>
        %add3A_191 = arith.addf %add3A_185, %mul3A_190 : vector<16xf32>
        %add3A_192 = arith.constant 80 : i32
        %add3A_193 = arith.addi %mul3A_89, %add3A_192 : i32
        %get3A_194 = arith.index_cast %add3A_193 : i32 to index
        %get3A_195 = tpu.vector_load %arg12[%get3A_194] {strides = array<i32>} : memref<1600xf32, #tpu.memory_space<vmem>>, vector<16xf32>,
        %mul3A_196 = arith.mulf %parallel_loop3A_161#5, %get3A_195 : vector<16xf32>
        %add3A_197 = arith.addf %add3A_191, %mul3A_196 : vector<16xf32>
        %add3A_198 = arith.constant 84 : i32
        %add3A_199 = arith.addi %mul3A_89, %add3A_198 : i32
        %get3A_200 = arith.index_cast %add3A_199 : i32 to index
        %get3A_201 = tpu.vector_load %arg12[%get3A_200] {strides = array<i32>} : memref<1600xf32, #tpu.memory_space<vmem>>, vector<16xf32>,
        %ge3A = arith.constant 12 : i32
        %ge3A_202 = vector.broadcast %ge3A : i32 to vector<16xi32>
        %ge3A_203 = arith.cmpi sge, %iota3A, %ge3A_202 : vector<16xi32>
        %jit3A = arith.constant 0.000000e+00 : f32
        %broadcast_in_dim3A_204 = vector.broadcast %jit3A : f32 to vector<16xf32>
        %select_n3A = arith.select %ge3A_203, %get3A_201, %broadcast_in_dim3A_204 : vector<16xi1>, vector<16xf32>
        %mul3A_205 = arith.mulf %parallel_loop3A_161#6, %select_n3A : vector<16xf32>
        %add3A_206 = arith.addf %add3A_197, %mul3A_205 : vector<16xf32>
        %reduce_sum3A = arith.constant true
        %reduce_sum3A_207 = vector.broadcast %reduce_sum3A : i1 to vector<16xi1>
        %reduce_sum3A_208 = tpu.scan <sum>, %add3A_206 masked %reduce_sum3A_207 : vector<16xf32>, vector<16xi1> -> vector<16xf32>
        %reduce_sum3A_209 = vector.extract %reduce_sum3A_208[15] : f32 from vector<16xf32>
        %iota3A_210 = tpu.iota {dimensions = array<i32: 0>} : vector<16xi32>
        %broadcast_in_dim3A_211 = arith.constant 0 : i32
        %broadcast_in_dim3A_212 = vector.broadcast %broadcast_in_dim3A_211 : i32 to vector<16xi32>
        %mul3A_213 = arith.constant 16 : i32
        %mul3A_214 = arith.muli %add3A_57, %mul3A_213 : i32
        %add3A_215 = arith.addi %mul3A_214, %scan3A_84 : i32
        %add3A_216 = vector.broadcast %add3A_215 : i32 to vector<16xi32>
        %add3A_217 = arith.addi %broadcast_in_dim3A_212, %add3A_216 : vector<16xi32>
        %broadcast_in_dim3A_218 = arith.constant 0.000000e+00 : f32
        %broadcast_in_dim3A_219 = vector.broadcast %broadcast_in_dim3A_218 : f32 to vector<16xf32>
        %add3A_220 = vector.broadcast %reduce_sum3A_209 : f32 to vector<16xf32>
        %add3A_221 = arith.addf %broadcast_in_dim3A_219, %add3A_220 : vector<16xf32>
        %eq3A = arith.constant 0 : i32
        %eq3A_222 = vector.broadcast %eq3A : i32 to vector<16xi32>
        %eq3A_223 = arith.cmpi eq, %iota3A_210, %eq3A_222 : vector<16xi32>
        tpu.vector_store_idx %arg17[%add3A_217], %add3A_221 masked %eq3A_223 : memref<512xf32, #tpu.memory_space<vmem>>[vector<16xi32>], vector<16xf32>, vector<16xi1>
        %scan3A_224 = arith.constant 0 : i32
        scf.yield %scan3A_224 : i32
      }
      %scan3A_75 = arith.constant 16 : i32
      %add3A_76 = arith.constant 2 : i32
      %add3A_77 = arith.addi %add3A_57, %add3A_76 : i32
      %lt3A_78 = arith.constant 32 : i32
      %lt3A_79 = arith.cmpi slt, %add3A_77, %lt3A_78 : i32
      %convert_element_type3A_80 = arith.extui %lt3A_79 : i1 to i32
      %cond3A_81 = arith.constant 0 : i32
      %cond3A_82 = arith.cmpi ne, %convert_element_type3A_80, %cond3A_81 : i32
      scf.if %cond3A_82 {
        %add3A_84 = arith.constant 2 : i32
        %add3A_85 = arith.addi %add3A_57, %add3A_84 : i32
        %mul3A_86 = arith.constant 16 : i32
        %mul3A_87 = arith.muli %add3A_85, %mul3A_86 : i32
        %add3A_88 = arith.addi %mul3A_2, %mul3A_87 : i32
        %mul3A_89 = arith.constant 1664 : i32
        %mul3A_90 = arith.muli %add3A_88, %mul3A_89 : i32
        %dma_start3A_91 = tpu.memref_slice %arg2[%mul3A_90] : memref<27262976xf32, #tpu.memory_space<hbm>> -> memref<26624xf32, #tpu.memory_space<hbm>>
        %dma_start3A_92 = tpu.memref_slice %arg2[%mul3A_90] : memref<27262976xf32, #tpu.memory_space<hbm>> -> memref<26624xf32, #tpu.memory_space<hbm>>
        tpu.enqueue_dma source(%dma_start3A_92 : memref<26624xf32, #tpu.memory_space<hbm>>) target(%arg10 : memref<26624xf32, #tpu.memory_space<vmem>>) target_semaphore(%arg19 : memref<!tpu.dma_semaphore, #tpu.memory_space<semaphore_mem>>)
        %mul3A_93 = arith.constant 100 : i32
        %mul3A_94 = arith.muli %add3A_88, %mul3A_93 : i32
        %dma_start3A_95 = tpu.memref_slice %arg3[%mul3A_94] : memref<1638400xf32, #tpu.memory_space<hbm>> -> memref<1600xf32, #tpu.memory_space<hbm>>
        %dma_start3A_96 = tpu.memref_slice %arg3[%mul3A_94] : memref<1638400xf32, #tpu.memory_space<hbm>> -> memref<1600xf32, #tpu.memory_space<hbm>>
        tpu.enqueue_dma source(%dma_start3A_96 : memref<1600xf32, #tpu.memory_space<hbm>>) target(%arg12 : memref<1600xf32, #tpu.memory_space<vmem>>) target_semaphore(%arg21 : memref<!tpu.dma_semaphore, #tpu.memory_space<semaphore_mem>>)
      } else {
      }
      %scan3A_83 = arith.constant 0 : i32
      scf.yield %scan3A_83 : i32
    }
    %scan3A_28 = arith.constant 16 : i32
    "tpu.region"() ({
      %run_scoped3A = tpu.sem_alloc : memref<!tpu.dma_semaphore, #tpu.memory_space<semaphore_mem>>
      %dma_start3A_29 = tpu.memref_slice %arg8[%mul3A_2] : memref<16384xf32, #tpu.memory_space<hbm>> -> memref<512xf32, #tpu.memory_space<hbm>>
      %dma_start3A_30 = tpu.memref_slice %arg8[%mul3A_2] : memref<16384xf32, #tpu.memory_space<hbm>> -> memref<512xf32, #tpu.memory_space<hbm>>
      tpu.enqueue_dma source(%arg17 : memref<512xf32, #tpu.memory_space<vmem>>) target(%dma_start3A_30 : memref<512xf32, #tpu.memory_space<hbm>>) target_semaphore(%run_scoped3A : memref<!tpu.dma_semaphore, #tpu.memory_space<semaphore_mem>>)
      %dma_wait3A = tpu.memref_slice %arg8[%mul3A_2] : memref<16384xf32, #tpu.memory_space<hbm>> -> memref<512xf32, #tpu.memory_space<hbm>>
      %dma_wait3A_31 = tpu.memref_slice %arg8[%mul3A_2] : memref<16384xf32, #tpu.memory_space<hbm>> -> memref<512xf32, #tpu.memory_space<hbm>>
      tpu.wait_dma2 semaphore(%run_scoped3A : memref<!tpu.dma_semaphore, #tpu.memory_space<semaphore_mem>>) src(%arg17 : memref<512xf32, #tpu.memory_space<vmem>>) dst(%dma_wait3A_31 : memref<512xf32, #tpu.memory_space<hbm>>)
      tpu.yield
    }) : () -> ()
    return
  }
}

</mosaic_0001>

<sc_bundles>
// kernel: kernel.3.cloned.1.call-start
scs
__scs_entry_jumppad:
0x0: {  	(pc) =	sbr.rel $0x88, $3  }
0x1: {  	(tag) =	ssettag $0x0;
	lr =	simm.s32 $0x1  }
0x2: {  	[smem:$0x3F9C] =	sst lr;
	_ =	strace $0xD0000000  }
0x3: {  	_ = 	snop  }
0x4: {  	_ = 	snop  }
0x5: {  	_ = 	snop  }
0x6: {  	_ = 	snop  }
0x7: {  	_ = 	snop  }
__scs_overlays_trampoline_lowered:
0x8: {  	[smem:$0x3FAB] =	sst s0  }
0x9: {  	[smem:$0x3FAC] =	sst s1  }
0xa: {  	[smem:$0x3FAD] =	sst s2  }
0xb: {  	[smem:$0x3FAE] =	sst s3  }
0xc: {  	[smem:$0x3FAF] =	sst s4  }
0xd: {  	[smem:$0x3FB0] =	sst s5  }
0xe: {  	[smem:$0x3FB1] =	sst s6  }
0xf: {  	[smem:$0x3FB2] =	sst s7  }
0x10: {  	[smem:$0x3FB3] =	sst s8  }
0x11: {  	[smem:$0x3FB4] =	sst s9;
	s0 =	simm.s32 @!p0 $0x0  }
0x12: {  	s1 =	sld [smem:$0x3F9A];
	s0 =	simm.s32 @p0 $0x1  }
0x13: {  	[smem:$0x3FB5] =	sst s0;
	s0 =	simm.s32 @!p1 $0x0  }
0x14: {  	s2 =	sld [smem:$0x3F99];
	s0 =	simm.s32 @p1 $0x1  }
0x15: {  	[smem:$0x3FB6] =	sst s0;
	s0 =	simm.s32 @!p2 $0x0  }
0x16: {  	s3 =	sld [smem:$0x3FDB];
	s0 =	simm.s32 @p2 $0x1  }
0x17: {  	s4 =	simm.s32 $0x1BF5;
	[smem:$0x3FB8] =	sst s0  }
0x18: {  	s0 =	sld [smem:$0x3F9B];
	_ =	swait.ge [sflag:s4], $0x0  }
0x19: {  	s7 =	sld [smem:$0x3F9C]  }
0x1a: {  	s8 =	sadd.s32 $0xFFFFE003, lr  }
0x1b: {  	s9 =	sadd.s32 $0xFFFFFEF7, lr;
	s5 =	simm.s32 $0xFFFFFFFF;
	p2 =	slt.u32 s8, $0xFFFFF086  }
0x1c: {  	p1 =	slt.u32 s9, $0xF7A;
	s5 =	simm.s32 @!p2 $0x0  }
0x1d: {  	s5 =	simm.s32 @p1 $0x1;
	p0 =	seq.s32 s7, s2  }
0x1e: {  	s7 =	smul.u32 @!p0 $0xF7A, s2;
	p2 =	seq.s32 @!p0 s5, $0x0  }
0x1f: {  	s9 =	smul.u32 $0xF7A, s1;
	s8 =	simm.s32 @!p0 $0x1BF5;
	p2 =	por !p2, p0  }
0x20: {  	[sflag:s8] =	ssyncset.s32 @!p0 $0xFFFFF086;
	s6 =	sadd.s32 @!p0 s3, s7;
	s7 =	simm.s32 @!p0 $0x108  }
0x21: {  	s3 =	sadd.s32 s3, s9;
	s6 =	sadd.s32 @!p0 $0x88, s6;
	s7 =	simm.s32 @p2 $0x1082  }
0x22: {  	[simem:s7], [sflag:s8] =	dma.local @!p0 [hbm:s6], $0xF7A  }
0x23: {  	s9 =	sor.u32 $0xD0000000, s2;
	s6 =	simm.s32 $0x108;
	_ =	swait.ge @!p0 [sflag:s8], $0x0  }
0x24: {  	s3 =	sadd.s32 $0x88, s3;
	s6 =	simm.s32 @!p1 $0x1082;
	[sflag:s4] =	ssyncset.s32 $0xFFFFF086  }
0x25: {  	[simem:s6], [sflag:s4] =	dma.local [hbm:s3], $0xF7A  }
0x26: {  	[smem:$0x3F9C] =	sst s1;
	(tag) =	ssettag s2;
	_ =	strace s9  }
0x27: {  	s1 =	sld [smem:$0x3FAC]  }
0x28: {  	s2 =	sld [smem:$0x3FAD]  }
0x29: {  	s4 =	sld [smem:$0x3FAF]  }
0x2a: {  	p0 =	seq.s32 s5, $0x0;
	s5 =	sld [smem:$0x3FB0]  }
0x2b: {  	s6 =	sld [smem:$0x3FB1]  }
0x2c: {  	s7 =	sld [smem:$0x3FB2]  }
0x2d: {  	s3 =	simm.s32 $0x108;
	s8 =	sld [smem:$0x3FB3]  }
0x2e: {  	s3 =	simm.s32 @!p0 $0x1082;
	s9 =	sld [smem:$0x3FB4]  }
0x2f: {  	lr =	sadd.s32 s0, s3;
	s0 =	sld [smem:$0x3FAB]  }
0x30: {  	s3 =	sld [smem:$0x3FAE]  }
0x31: {  	[smem:$0x3FB7] =	sst s10  }
0x32: {  	s10 =	sld [smem:$0x3FB5];
	_ =	sdelay $0x3  }
0x33: {  	p0 =	seq.s32 s10, $0x1;
	s10 =	sld [smem:$0x3FB7];
	_ =	sdelay $0x3  }
0x34: {  	[smem:$0x3FB7] =	sst s10  }
0x35: {  	s10 =	sld [smem:$0x3FB6];
	_ =	sdelay $0x3  }
0x36: {  	p1 =	seq.s32 s10, $0x1;
	s10 =	sld [smem:$0x3FB7];
	_ =	sdelay $0x3  }
0x37: {  	[smem:$0x3FB7] =	sst s10  }
0x38: {  	s10 =	sld [smem:$0x3FB8]  }
0x39: {  	_ = 	snop;
	(pc) =	sbr.ind lr, $3  }
0x3a: {  	_ = 	snop  }
0x3b: {  	_ = 	snop  }
0x3c: {  	p2 =	seq.s32 s10, $0x1;
	s10 =	sld [smem:$0x3FB7]  }
0x3d: {  	_ =	shalt  }
0x3e: {  	_ =	shalt  }
0x3f: {  	_ =	shalt  }
0x40: {  	_ =	shalt  }
0x41: {  	_ =	shalt  }
0x42: {  	_ =	shalt  }
0x43: {  	_ =	shalt  }
0x44: {  	_ =	shalt  }
0x45: {  	_ =	shalt  }
0x46: {  	_ =	shalt  }
0x47: {  	_ =	shalt  }
0x48: {  	_ =	shalt  }
0x49: {  	_ =	shalt  }
0x4a: {  	_ =	shalt  }
0x4b: {  	_ =	shalt  }
0x4c: {  	_ =	shalt  }
0x4d: {  	_ =	shalt  }
0x4e: {  	_ =	shalt  }
0x4f: {  	_ =	shalt  }
0x50: {  	_ =	shalt  }
0x51: {  	_ =	shalt  }
0x52: {  	_ =	shalt  }
0x53: {  	_ =	shalt  }
0x54: {  	_ =	shalt  }
0x55: {  	_ =	shalt  }
0x56: {  	_ =	shalt  }
0x57: {  	_ =	shalt  }
0x58: {  	_ =	shalt  }
0x59: {  	_ =	shalt  }
0x5a: {  	_ =	shalt  }
0x5b: {  	_ =	shalt  }
0x5c: {  	_ =	shalt  }
0x5d: {  	_ =	shalt  }
0x5e: {  	_ =	shalt  }
0x5f: {  	_ =	shalt  }
0x60: {  	_ =	shalt  }
0x61: {  	_ =	shalt  }
0x62: {  	_ =	shalt  }
0x63: {  	_ =	shalt  }
0x64: {  	_ =	shalt  }
0x65: {  	_ =	shalt  }
0x66: {  	_ =	shalt  }
0x67: {  	_ =	shalt  }
0x68: {  	_ =	shalt  }
0x69: {  	_ =	shalt  }
0x6a: {  	_ =	shalt  }
0x6b: {  	_ =	shalt  }
0x6c: {  	_ =	shalt  }
0x6d: {  	_ =	shalt  }
0x6e: {  	_ =	shalt  }
0x6f: {  	_ =	shalt  }
0x70: {  	_ =	shalt  }
0x71: {  	_ =	shalt  }
0x72: {  	_ =	shalt  }
0x73: {  	_ =	shalt  }
0x74: {  	_ =	shalt  }
0x75: {  	_ =	shalt  }
0x76: {  	_ =	shalt  }
0x77: {  	_ =	shalt  }
0x78: {  	_ =	shalt  }
0x79: {  	_ =	shalt  }
0x7a: {  	_ =	shalt  }
0x7b: {  	_ =	shalt  }
0x7c: {  	_ =	shalt  }
0x7d: {  	_ =	shalt  }
0x7e: {  	_ =	shalt  }
0x7f: {  	_ =	shalt  }
0x80: {  	_ =	shalt  }
0x81: {  	_ =	shalt  }
0x82: {  	_ =	shalt  }
0x83: {  	_ =	shalt  }
0x84: {  	_ =	shalt  }
0x85: {  	_ =	shalt  }
0x86: {  	_ =	shalt  }
0x87: {  	_ =	shalt  }
.Lfunc_end0:
.L_simem_size_0:
called_computation_lowered:
.L_overlay_start_0:
0x88: {  	s2 =	sld [smem:$0x3FD9]  }
0x89: {  	s3 =	sld [smem:$0x3FFE];
	_ =	sdelay $0x1  }
0x8a: {  	s1 =	srdreg.scid  }
0x8b: {  	s0 =	sand.u32 $0x1, s1  }
0x8c: {  	s17 =	sshll.u32 s0, $0xA;
	s2 =	sadd.s32 s3, s2  }
0x8d: {  	s2 =	sadd.s32 s2, s17  }
0x8e: {  	[smem:$0x3FC3] =	sst s2  }
0x8f: {  	_ = 	snop  }
0x90: {  	s2 =	sld [smem:$0x3FC6]  }
0x91: {  	s18 =	sld [smem:$0x3FD0];
	(tm) =	ssettm $0x1  }
0x92: {  	s4 =	sld [smem:$0x3FFB];
	_ =	sdelay $0x3  }
0x93: {  	_ =	strace s4  }
0x94: {  	s4 =	sld [smem:$0x3FFC];
	_ =	sdelay $0x3  }
0x95: {  	_ =	strace s4  }
0x96: {  	s4 =	sld [smem:$0x3FFD];
	_ =	sdelay $0x3  }
0x97: {  	_ =	strace s4  }
0x98: {  	_ =	strace $0x8FFFFFFF  }
0x99: {  	s19 =	sld [smem:$0x3FDB];
	_ =	sdelay $0x1  }
0x9a: {  	s5 =	simm.s32 $_scs_section_size  }
0x9b: {  	s6 =	simm.s32 $_size__tile_overlayer_lowered;
	s7 =	simm.s32 $_tile_overlayer_lowered  }
0x9c: {  	s22 =	simm.s32 $0x1BFF;
	s21 =	sshll.u32 s7, $0x1;
	s4 =	sadd.s32 s5, s19  }
0x9d: {  	s8 =	simm.s32 $0x0;
	s20 =	sshll.u32 s6, $0x1;
	s6 =	sadd.s32 s21, s4  }
0x9e: {  	[timem:s8], [sflag:s22] =	dma.local [hbm:s6], s20  }
0x9f: {  	_ =	swait.ge [sflag:s22], s20  }
0xa0: {  	s5 =	ssub.s32 $0x0, s20;
	[sflag:s22] =	ssyncset.done $0x0  }
0xa1: {  	[sflag:s22] =	ssyncadd.s32 s5;
	_ =	sdelay $0x1  }
0xa2: {  	s23 =	simm.s32 $0x1B8B  }
0xa3: {  	_ =	swait.ge [sflag:s23], $0x1  }
0xa4: {  	[sflag:s23] =	ssyncset.done $0x0  }
0xa5: {  	s25 =	simm.s32 $0x1B8E;
	s24 =	sld [smem:$0x3FFE];
	[sflag:s23] =	ssyncadd.s32 $0xFFFFFFFF  }
0xa6: {  	s26 =	simm.s32 $execute0_lowered;
	[smem:$0x3FD2] =	sst s25  }
0xa7: {  	s6 =	sshll.u32 s26, $0x1;
	_ =	strace $0x80000046;
	[dreg:$0x1] =	wrdreg $0xFFFFFFFF  }
0xa8: {  	s28 =	simm.s32 $_size_execute0_lowered;
	s4 =	sadd.s32 s4, s6;
	[dreg:$0x0] =	wrdreg $0x0  }
0xa9: {  	s6 =	sshll.u32 s28, $0x1;
	[dreg:$0x2] =	wrdreg s4  }
0xaa: {  	[dreg:$0x3] =	wrdreg s6  }
0xab: {  	[dreg:$0x4] =	wrdreg $0xC0  }
0xac: {  	_ =	task [dreg:s8], $0x5FFFF  }
0xad: {  	[dreg:$0x1] =	wrdreg $0xFFFFFFFF  }
0xae: {  	[dreg:$0x0] =	wrdreg $0x60  }
0xaf: {  	[dreg:$0x2] =	wrdreg s24  }
0xb0: {  	[dreg:$0x3] =	wrdreg s2  }
0xb1: {  	[dreg:$0x4] =	wrdreg s18  }
0xb2: {  	[dreg:$0x5] =	wrdreg $0x9  }
0xb3: {  	_ =	task.clear_ibuf [dreg:s8], $0x6FFFF;
	_ =	strace $0x90000046  }
0xb4: {  	s29 =	simm.s32 $0x9;
	_ =	strace $0x80000048  }
0xb5: {  	_ =	swait.ge [sflag:s29], $0x1  }
0xb6: {  	[sflag:s29] =	ssyncadd.s32 $0xFFFFFFFF  }
0xb7: {  	_ =	strace $0x90000048  }
0xb8: {  	_ =	sfence  }
0xb9: {  	s30 =	sld [smem:$0x0];
	_ =	sdelay $0x2  }
0xba: {  	s31 =	sshll.u32 s1, $0xD;
	s1 =	sshrl.u32 s1, $0x2  }
0xbb: {  	s3 =	sand.u32 $0x4000, s31;
	s1 =	sadd.s32 s1, s30  }
0xbc: {  	s0 =	sor.u32 s3, s0;
	s1 =	sshll.u32 s1, $0x11  }
0xbd: {  	s0 =	sor.u32 s1, s0  }
0xbe: {  	s0 =	sadd.s32 $0x8F2B, s0  }
0xbf: {  	[sflag:s0] =	ssyncadd.remote.s32 $0x1  }
0xc0: {  	_ =	sfence.sel $0xFFFF  }
0xc1: {  	[dreg:$0x0] =	wrdreg $0xFFFFFFFF;
	(pc) =	sbr.abs _section_cstart, $3  }
0xc2: {  	[dreg:$0x1] =	wrdreg $0xFFFFFFFF  }
0xc3: {  	_ =	task.clear_ibuf [dreg:s8], $0x2FFFF;
	_ =	strace $0x9FFFFFFF  }
0xc4: {  	(tm) =	ssettm $0x7FFFFFFF  }
0xc5: {  	_ =	shalt  }
tec
execute0_lowered:
.L_overlay_start_1:
0x0: {  	(tag) =	ssettag $0x1  }
0x1: {  	s0 =	rddreg [dreg:$0x0]  }
0x2: {  	s1 =	rddreg [dreg:$0x2];
	s3 =	simm.s32 $0x0;
	s2 =	srdreg.scid  }
0x3: {  	s4 =	stileid.u32;
	s18 =	simm.s32 $0x5;
	s20 =	simm.s32 $0xDE00  }
0x4: {  	s22 =	simm.s32 $0xD000;
	s28 =	simm.s32 $0xDF00;
	s29 =	simm.s32 $0x2  }
0x5: {  	s30 =	simm.s32 $0x4;
	s31 =	simm.s32 $0x0;
	[smem:$0x7FF] =	sst s3  }
0x6: {  	s2 =	sand.u32 $0x1, s2;
	s6 =	sshll.u32 s4, $0x1;
	s4 =	sadd.s32 $0x800E00, s0  }
0x7: {  	s5 =	sadd.s32 $0xE00, s0;
	s7 =	sadd.s32 $0x32E00, s0;
	s8 =	sadd.s32 $0x33200, s0  }
0x8: {  	_ =	strace $0x80000047;
	s13 =	sor.u32 s2, s6;
	s6 =	sadd.s32 $0x33000, s0  }
0x9: {  	s2 =	ssub.s32 $0x2, s2;
	s14 =	sshll.u32 s13, $0x9;
	s9 =	smul.u32 $0x1A000, s13  }
0xa: {  	s10 =	smul.u32 $0x1900, s13;
	s12 =	sshrl.u32 s2, $0x1;
	s11 =	sor.u32 $0x10, s14  }
0xb: {  	s26 =	sshll.u32 s13, $0x6;
	s23 =	ssub.s32 s2, s12;
	s15 =	smul.u32 $0x64, s11  }
.Ltmp0:
0xc: {  	s13 =	sor.u32 $0x20, s14;
	s14 =	sor.u32 $0x30, s14;
	(pc) =	sbr.rel .LBB2_1-.Ltmp0, $4  }
0xd: {  	s24 =	smul.u32 $0xD0, s11;
	s9 =	sadd.s32 s4, s9;
	s10 =	sadd.s32 s5, s10  }
0xe: {  	s16 =	smax.u32 s23, $0x1;
	s23 =	simm.s32 $0x6800;
	s25 =	sshrl.u32 s15, $0x3  }
0xf: {  	s11 =	sadd.s32 s4, s24;
	s15 =	sadd.s32 s1, s26;
	s24 =	simm.s32 $0xD680  }
0x10: {  	v0 =	vlaneseq.u32;
	vm0 =	vmmov $0xfff;
	s26 =	simm.s32 $0x3;
	s12 =	sadd.s32 s5, s25;
	s25 =	simm.s32 $0x1  }
.LBB2_12:
0x11: {  	s31 =	sadd.s32 $0x1, s31  }
0x12: {  	p0 =	sne.s32 s31, s16  }
.Ltmp1:
0x13: {  	_ = 	snop;
	(pc) =	sbr.rel @!p0 .LBB2_13-.Ltmp1, $4  }
0x14: {  	[hbm4b:s15+s3] =	stream.linear.scatter [tilespmem:s28], [sflag:$0x5], $0x200, $0x38;
	[tilespmem:$0xE100] =	vst v63  }
0x15: {  	_ =	swait.ge [sflag:s18], $0x200  }
0x16: {  	[sflag:s18] =	ssyncset.done $0x0  }
0x17: {  	[sflag:s18] =	ssyncadd.s32 $0xFFFFFE00  }
.LBB2_1:
0x18: {  	s0 =	simm.s32 $0xDD00  }
0x19: {  	[tilespmem:s0], [sflag:$0x5] =	stream.linear.gather [hbm4b:s6+s3], $0x80, $0x38;
	[tilespmem:$0xE100] =	vst v63  }
0x1a: {  	_ =	swait.ge [sflag:s18], $0x80  }
0x1b: {  	[sflag:s18] =	ssyncset.done $0x0  }
0x1c: {  	s17 =	simm.s32 $0xDD80;
	[sflag:s18] =	ssyncadd.s32 $0xFFFFFF80  }
0x1d: {  	[tilespmem:s17], [sflag:$0x5] =	stream.linear.gather [hbm4b:s7+s3], $0x80, $0x38;
	[tilespmem:$0xE100] =	vst v63  }
0x1e: {  	_ =	swait.ge [sflag:s18], $0x80  }
0x1f: {  	[sflag:s18] =	ssyncset.done $0x0  }
0x20: {  	[sflag:s18] =	ssyncadd.s32 $0xFFFFFF80  }
0x21: {  	s19 =	rddreg [dreg:$0x1]  }
0x22: {  	[tilespmem:s20], [sflag:$0x5] =	stream.linear.gather [hbm4b:s19+s3], $0x80, $0x38;
	[tilespmem:$0xE100] =	vst v63  }
0x23: {  	_ =	swait.ge [sflag:s18], $0x80  }
0x24: {  	[sflag:s18] =	ssyncset.done $0x0  }
0x25: {  	s21 =	simm.s32 $0xDE80;
	[sflag:s18] =	ssyncadd.s32 $0xFFFFFF80  }
0x26: {  	[tilespmem:s21], [sflag:$0x5] =	stream.linear.gather [hbm4b:s8+s3], $0x80, $0x38;
	[tilespmem:$0xE100] =	vst v63  }
0x27: {  	_ =	swait.ge [sflag:s18], $0x80  }
0x28: {  	[sflag:s18] =	ssyncset.done $0x0  }
0x29: {  	[sflag:s18] =	ssyncadd.s32 $0xFFFFFF80  }
0x2a: {  	v1 =	vld [tilespmem:$0xDE80];
	[tilespmem:s3], [sflag:$0x1] =	stream.linear.gather [hbm4b:s9+s3], $0x6800, $0x38  }
0x2b: {  	_ = 	snop  }
0x2c: {  	[tilespmem:s22], [sflag:$0x3] =	stream.linear.gather [hbm4b:s10+s3], $0x640, $0x38;
	[tilespmem:$0xE100] =	vst v63  }
0x2d: {  	_ = 	snop  }
0x2e: {  	[tilespmem:s23], [sflag:$0x2] =	stream.linear.gather [hbm4b:s11+s3], $0x6800, $0x38;
	[tilespmem:$0xE100] =	vst v63  }
0x2f: {  	s0 =	simm.s32 $0x0  }
0x30: {  	[tilespmem:s24], [sflag:$0x4] =	stream.linear.gather [hbm4b:s12+s3], $0x640, $0x38;
	[tilespmem:$0xE100] =	vst v63  }
.LBB2_2:
0x31: {  	_ =	swait.ge [sflag:s25], $0x6800  }
0x32: {  	[sflag:s25] =	ssyncset.done $0x0  }
0x33: {  	[sflag:s25] =	ssyncadd.s32 $0xFFFF9800  }
0x34: {  	_ =	swait.ge [sflag:s26], $0x640  }
0x35: {  	s2 =	sshll.u32 s0, $0x5;
	[sflag:s26] =	ssyncset.done $0x0  }
0x36: {  	s1 =	simm.s32 $0x0;
	s17 =	simm.s32 $0x0;
	[sflag:s26] =	ssyncadd.s32 $0xFFFFF9C0  }
.LBB2_3:
0x37: {  	v2 =	vld [tilespmem:$0xDD00]  }
0x38: {  	v4 =	vld [tilespmem:$0xDD10]  }
0x39: {  	v5 =	vld [tilespmem:$0xDD20]  }
0x3a: {  	v3 =	vld [tilespmem:$0xDD60]  }
0x3b: {  	v6 =	vld [tilespmem:$0xDDE0]  }
0x3c: {  	v7 =	vld [tilespmem:$0xDD30]  }
0x3d: {  	v8 =	vld [tilespmem:$0xDD40]  }
0x3e: {  	s19 =	smul.u32 $0x680, s17;
	v12 =	vld [tilespmem:$0xDD80]  }
0x3f: {  	v9 =	vld [tilespmem:$0xDD50];
	v11 =	vadd.s32 s1, v0  }
0x40: {  	v17 =	vld [tilespmem:$0xDDA0];
	v13 =	vand.u32 $0x3F, v11;
	v10 =	vadd.s32 s19, v3  }
0x41: {  	v20 =	vld [tilespmem:$0xDDB0];
	v3 =	vadd.s32 s19, v6;
	v6 =	vadd.s32 v13, v10  }
0x42: {  	v11 =	vld [tilespmem:$0xDD90];
	v18 =	vadd.s32 s19, v2;
	v15 =	vadd.s32 v13, v3  }
0x43: {  	v25 =	vld [tilespmem:$0xDDD0];
	v16 =	vadd.s32 s19, v12;
	v24 =	vadd.s32 v13, v18  }
0x44: {  	v2 =	vld [tilespmem:$0xDDC0];
	v19 =	vadd.s32 s19, v4;
	v14 =	vadd.s32 s19, v5;
	v4 =	vadd.s32 v13, v16  }
0x45: {  	v12 =	vadd.s32 s19, v8;
	v23 =	vadd.s32 s19, v17;
	v8 =	vadd.s32 v13, v14;
	v5 =	vld.idx.msk [tilespmem:v13+s20+$0x0], $0xffff  }
0x46: {  	v9 =	vadd.s32 s19, v9;
	v17 =	vadd.s32 v13, v23;
	v6 =	vld.idx.msk [tilespmem:v6+s3+$0x0], $0xffff  }
0x47: {  	v22 =	vadd.s32 s19, v20;
	v21 =	vadd.s32 s19, v11;
	v27 =	vadd.s32 v13, v19;
	v29 =	vld.idx.msk [tilespmem:v15+s3+$0x0], $0xffff  }
0x48: {  	v11 =	vadd.s32 s19, v25;
	v15 =	vadd.s32 s19, v7;
	v7 =	vadd.s32 v13, v21;
	v24 =	vld.idx.msk [tilespmem:v24+s3+$0x0], $0xffff  }
0x49: {  	v35 =	vadd.s32 v13, v22;
	v34 =	vadd.s32 v13, v12;
	v26 =	vld.idx.msk [tilespmem:v4+s3+$0x0], $0xffff;
	v37 =	vadd.s32 v13, v15  }
0x4a: {  	v30 =	vadd.s32 v13, v9;
	v20 =	vadd.s32 s19, v2;
	v2 =	vimm.f32 $0.0e+00;
	v32 =	vld.idx.msk [tilespmem:v8+s3+$0x0], $0xffff  }
0x4b: {  	s21 =	simm.s32 $0x1;
	v33 =	vadd.s32 v13, v20;
	v36 =	vld.idx.msk [tilespmem:v17+s3+$0x0], $0xffff;
	v17 =	vimm.f32 $0.0e+00;
	v8 =	vimm.f32 $0.0e+00  }
0x4c: {  	v28 =	vld.idx.msk [tilespmem:v27+s3+$0x0], $0xffff;
	v4 =	vmul.f32 v29, v6;
	v6 =	vadd.s32 s21, v0;
	v29 =	vadd.s32 v13, v11  }
0x4d: {  	v31 =	vld.idx.msk [tilespmem:v7+s3+$0x0], $0xffff;
	v13 =	vimm.f32 $0.0e+00;
	v7 =	vimm.f32 $0.0e+00;
	v27 =	vand.u32 $0x3F, v6  }
0x4e: {  	s19 =	simm.s32 $0x2;
	v37 =	vld.idx.msk [tilespmem:v37+s3+$0x0], $0xffff;
	v6 =	vimm.f32 $0.0e+00;
	v25 =	vmul.f32 v4, v5;
	v4 =	vimm.f32 $0.0e+00  }
.LBB2_4:
0x4f: {  	p0 =	sne.s32 s19, $0x3F;
	v38 =	vadd.s32 v27, v18;
	v39 =	vadd.s32 v27, v16;
	v40 =	vadd.s32 v27, v10;
	v41 =	vld.idx.msk [tilespmem:v35+s3+$0x0], $0xffff  }
0x50: {  	v42 =	vadd.s32 v27, v19;
	v43 =	vadd.s32 v27, v3;
	v44 =	vld.idx.msk [tilespmem:v34+s3+$0x0], $0xffff;
	v2 =	vadd.f32 v25, v2  }
0x51: {  	v45 =	vadd.s32 v27, v14;
	v46 =	vadd.s32 v27, v23;
	v25 =	vadd.s32 v27, v21;
	v47 =	vld.idx.msk [tilespmem:v33+s3+$0x0], $0xffff  }
0x52: {  	v48 =	vadd.s32 v27, v15;
	v35 =	vadd.s32 v27, v22;
	v34 =	vadd.s32 v27, v12;
	v49 =	vld.idx.msk [tilespmem:v30+s3+$0x0], $0xffff  }
0x53: {  	v33 =	vadd.s32 v27, v20;
	v30 =	vadd.s32 v27, v9;
	v50 =	vld.idx.msk [tilespmem:v29+s3+$0x0], $0xffff;
	v29 =	vadd.s32 v27, v11  }
0x54: {  	v26 =	vmul.f32 v26, v24;
	v28 =	vmul.f32 v31, v28;
	v40 =	vld.idx.msk [tilespmem:v40+s3+$0x0], $0xffff  }
0x55: {  	v31 =	vmul.f32 v36, v32;
	v32 =	vmul.f32 v41, v37;
	v43 =	vld.idx.msk [tilespmem:v43+s3+$0x0], $0xffff  }
0x56: {  	v36 =	vmul.f32 v26, v5;
	v28 =	vmul.f32 v28, v5;
	v24 =	vld.idx.msk [tilespmem:v38+s3+$0x0], $0xffff  }
0x57: {  	v38 =	vld.idx.msk [tilespmem:v27+s20+$0x0], $0xffff;
	v27 =	vmul.f32 v31, v5;
	v31 =	vmul.f32 v47, v44  }
0x58: {  	v17 =	vadd.f32 v36, v17;
	v13 =	vadd.f32 v28, v13;
	v32 =	vmul.f32 v32, v5;
	v26 =	vld.idx.msk [tilespmem:v39+s3+$0x0], $0xffff  }
.Ltmp2:
0x59: {  	v36 =	vmul.f32 v50, v49;
	v28 =	vld.idx.msk [tilespmem:v42+s3+$0x0], $0xffff;
	v8 =	vadd.f32 v27, v8;
	v27 =	vmul.f32 v31, v5;
	(pc) =	sbr.rel @p0 .LBB2_4-.Ltmp2, $4  }
0x5a: {  	v7 =	vadd.f32 v32, v7;
	v31 =	vld.idx.msk [tilespmem:v25+s3+$0x0], $0xffff  }
0x5b: {  	v25 =	vmul.f32 v43, v40;
	v39 =	vmul.f32 v36, v5;
	v32 =	vld.idx.msk [tilespmem:v45+s3+$0x0], $0xffff;
	v6 =	vadd.f32 v27, v6  }
0x5c: {  	v27 =	vadd.s32 s19, v0;
	v36 =	vld.idx.msk [tilespmem:v46+s3+$0x0], $0xffff  }
0x5d: {  	s19 =	sadd.s32 $0x1, s19;
	v27 =	vand.u32 $0x3F, v27;
	v25 =	vmul.f32 v25, v38;
	v4 =	vadd.f32 v39, v4;
	v5 =	vmovc v38;
	v37 =	vld.idx.msk [tilespmem:v48+s3+$0x0], $0xffff  }
0x5e: {  	_ =	sdelay $0x3  }
0x5f: {  	v35 =	vld.idx.msk [tilespmem:v35+s3+$0x0], $0xffff  }
0x60: {  	v34 =	vld.idx.msk [tilespmem:v34+s3+$0x0], $0xffff  }
0x61: {  	v33 =	vld.idx.msk [tilespmem:v33+s3+$0x0], $0xffff  }
0x62: {  	v30 =	vld.idx.msk [tilespmem:v30+s3+$0x0], $0xffff;
	s19 =	smul.u32 $0x190, s17  }
0x63: {  	v18 =	vadd.s32 v27, v18;
	v29 =	vld.idx.msk [tilespmem:v29+s3+$0x0], $0xffff  }
0x64: {  	v16 =	vadd.s32 v27, v16;
	v38 =	vld.idx.msk [tilespmem:v27+s20+$0x0], $0xffff;
	s19 =	sshra.s32 s19, $0x2  }
0x65: {  	v19 =	vadd.s32 v27, v19;
	v52 =	vld [tilespmem:s19+$0xD000]  }
0x66: {  	v21 =	vadd.s32 v27, v21;
	v54 =	vld [tilespmem:s19+$0xD010]  }
0x67: {  	v14 =	vadd.s32 v27, v14;
	v56 =	vld [tilespmem:s19+$0xD020]  }
0x68: {  	v23 =	vadd.s32 v27, v23;
	v18 =	vld.idx.msk [tilespmem:v18+s3+$0x0], $0xffff  }
0x69: {  	v15 =	vadd.s32 v27, v15;
	v16 =	vld.idx.msk [tilespmem:v16+s3+$0x0], $0xffff  }
0x6a: {  	v22 =	vadd.s32 v27, v22;
	v19 =	vld.idx.msk [tilespmem:v19+s3+$0x0], $0xffff  }
0x6b: {  	v12 =	vadd.s32 v27, v12;
	v24 =	vmul.f32 v26, v24;
	v21 =	vld.idx.msk [tilespmem:v21+s3+$0x0], $0xffff  }
0x6c: {  	v20 =	vadd.s32 v27, v20;
	v47 =	vmul.f32 v31, v28;
	v14 =	vld.idx.msk [tilespmem:v14+s3+$0x0], $0xffff  }
0x6d: {  	v9 =	vadd.s32 v27, v9;
	v24 =	vmul.f32 v24, v5;
	v48 =	vmul.f32 v36, v32;
	v23 =	vld.idx.msk [tilespmem:v23+s3+$0x0], $0xffff  }
0x6e: {  	v11 =	vadd.s32 v27, v11;
	v26 =	vmul.f32 v47, v5;
	v15 =	vld.idx.msk [tilespmem:v15+s3+$0x0], $0xffff;
	v49 =	vmul.f32 v35, v37  }
0x6f: {  	v10 =	vadd.s32 v27, v10;
	v22 =	vld.idx.msk [tilespmem:v22+s3+$0x0], $0xffff;
	v28 =	vmul.f32 v48, v5;
	v16 =	vmul.f32 v16, v18  }
0x70: {  	v3 =	vadd.s32 v27, v3;
	v12 =	vld.idx.msk [tilespmem:v12+s3+$0x0], $0xffff;
	v50 =	vmul.f32 v33, v34;
	v53 =	vmul.f32 v29, v30  }
0x71: {  	v17 =	vadd.f32 v24, v17;
	v20 =	vld.idx.msk [tilespmem:v20+s3+$0x0], $0xffff;
	v19 =	vmul.f32 v21, v19;
	v16 =	vmul.f32 v16, v38  }
0x72: {  	v9 =	vld.idx.msk [tilespmem:v9+s3+$0x0], $0xffff;
	v13 =	vadd.f32 v26, v13;
	v51 =	vmul.f32 v49, v5;
	v55 =	vmul.f32 v53, v5  }
0x73: {  	v11 =	vld.idx.msk [tilespmem:v11+s3+$0x0], $0xffff;
	v14 =	vmul.f32 v23, v14;
	v19 =	vmul.f32 v19, v38;
	v16 =	vadd.f32 v16, v17  }
0x74: {  	v10 =	vld.idx.msk [tilespmem:v10+s3+$0x0], $0xffff;
	v8 =	vadd.f32 v28, v8;
	v18 =	vmul.f32 v50, v5;
	v15 =	vmul.f32 v22, v15  }
0x75: {  	v3 =	vld.idx.msk [tilespmem:v3+s3+$0x0], $0xffff;
	v14 =	vmul.f32 v14, v38;
	v13 =	vadd.f32 v19, v13;
	v16 =	vmul.f32 v52, v16  }
0x76: {  	v57 =	vld [tilespmem:s19+$0xD030];
	v7 =	vadd.f32 v51, v7;
	v12 =	vmul.f32 v20, v12;
	v15 =	vmul.f32 v15, v38  }
0x77: {  	v8 =	vadd.f32 v14, v8;
	v13 =	vmul.f32 v54, v13;
	v58 =	vadd.f32 v16, v1  }
0x78: {  	v59 =	vld [tilespmem:s19+$0xD040];
	v9 =	vmul.f32 v11, v9;
	v6 =	vadd.f32 v18, v6;
	v12 =	vmul.f32 v12, v38  }
0x79: {  	v7 =	vadd.f32 v15, v7;
	v8 =	vmul.f32 v56, v8;
	v13 =	vadd.f32 v13, v58  }
0x7a: {  	v61 =	vld [tilespmem:s19+$0xD050];
	v4 =	vadd.f32 v55, v4;
	v3 =	vmul.f32 v3, v10;
	v9 =	vmul.f32 v9, v38  }
0x7b: {  	v62 =	vld [tilespmem:s19+$0xD054];
	v60 =	vadd.f32 v12, v6;
	v7 =	vmul.f32 v57, v7;
	v8 =	vadd.f32 v8, v13  }
0x7c: {  	v2 =	vadd.f32 v25, v2;
	v3 =	vmul.f32 v3, v38  }
0x7d: {  	v4 =	vadd.f32 v9, v4;
	v5 =	vmul.f32 v59, v60;
	v7 =	vadd.f32 v7, v8;
	_ =	sdelay $0x1  }
0x7e: {  	v2 =	vadd.f32 v3, v2;
	v4 =	vmul.f32 v61, v4;
	v3 =	vadd.f32 v5, v7  }
0x7f: {  	v63 =	vsel vm0, $0x0, v62  }
0x80: {  	v2 =	vmul.f32 v63, v2;
	v3 =	vadd.f32 v4, v3;
	_ =	sdelay $0x1  }
0x81: {  	v2 =	vadd.f32 v2, v3;
	_ =	sdelay $0x1  }
0x82: {  	(xrf2) =	vadd.scan.msk.f32 $0xffff, v2;
	_ =	sdelay $0x8  }
0x83: {  	s21 =	sor.u32 s2, s17;
	s17 =	sadd.s32 $0x1, s17  }
0x84: {  	p0 =	sne.s32 s17, $0x10;
	v3 =	vmov s21;
	v2, _, _ =	vpop (xrf2)  }
.Ltmp3:
0x85: {  	v2 =	vadd.f32 $0.0e+00, v2;
	(pc) =	sbr.rel @p0 .LBB2_3-.Ltmp3, $3  }
0x86: {  	_ = 	snop  }
0x87: {  	v2 =	vbroadcast v2, $0xF;
	_ =	sdelay $0x1  }
0x88: {  	[tilespmem:v3+s28+$0x0] =	vst.idx.msk $0x1, v2  }
0x89: {  	p0 =	seq.s32 s0, $0xF  }
0x8a: {  	s1 =	sadd.s32 @!p0 s2, s13  }
0x8b: {  	s17 =	smul.u32 @!p0 $0xD0, s1  }
0x8c: {  	s1 =	smul.u32 @!p0 $0x64, s1;
	_ =	sdelay $0x1  }
0x8d: {  	s19 =	simm.s32 @!p0 $0x0;
	s17 =	sadd.s32 @!p0 s4, s17;
	s1 =	sshrl.u32 @!p0 s1, $0x3  }
0x8e: {  	[tilespmem:s19], [sflag:$0x1] =	stream.linear.gather @!p0 [hbm4b:s17+s19], $0x6800, $0x38;
	[tilespmem:$0xE100] =	vst v63  }
0x8f: {  	s1 =	sadd.s32 @!p0 s5, s1;
	s17 =	simm.s32 @!p0 $0xD000  }
0x90: {  	[tilespmem:s17], [sflag:$0x3] =	stream.linear.gather @!p0 [hbm4b:s1+s19], $0x640, $0x38;
	[tilespmem:$0xE100] =	vst v63  }
0x91: {  	_ =	swait.ge [sflag:s29], $0x6800  }
0x92: {  	[sflag:s29] =	ssyncset.done $0x0  }
0x93: {  	[sflag:s29] =	ssyncadd.s32 $0xFFFF9800  }
0x94: {  	_ =	swait.ge [sflag:s30], $0x640  }
0x95: {  	s1 =	sor.u32 $0x10, s2;
	[sflag:s30] =	ssyncset.done $0x0  }
0x96: {  	s17 =	simm.s32 $0x0;
	s19 =	simm.s32 $0x0;
	[sflag:s30] =	ssyncadd.s32 $0xFFFFF9C0  }
.LBB2_7:
0x97: {  	v2 =	vld [tilespmem:$0xDD00]  }
0x98: {  	v4 =	vld [tilespmem:$0xDD10]  }
0x99: {  	v5 =	vld [tilespmem:$0xDD20]  }
0x9a: {  	v3 =	vld [tilespmem:$0xDD60]  }
0x9b: {  	v6 =	vld [tilespmem:$0xDDE0]  }
0x9c: {  	v7 =	vld [tilespmem:$0xDD30]  }
0x9d: {  	v8 =	vld [tilespmem:$0xDD40]  }
0x9e: {  	s21 =	smul.u32 $0x680, s19;
	v12 =	vld [tilespmem:$0xDD80]  }
0x9f: {  	v9 =	vld [tilespmem:$0xDD50];
	v11 =	vadd.s32 s17, v0  }
0xa0: {  	v17 =	vld [tilespmem:$0xDDA0];
	v13 =	vand.u32 $0x3F, v11;
	v10 =	vadd.s32 s21, v3  }
0xa1: {  	v20 =	vld [tilespmem:$0xDDB0];
	v3 =	vadd.s32 s21, v6;
	v6 =	vadd.s32 v13, v10  }
0xa2: {  	v11 =	vld [tilespmem:$0xDD90];
	v18 =	vadd.s32 s21, v2;
	v15 =	vadd.s32 v13, v3  }
0xa3: {  	v25 =	vld [tilespmem:$0xDDD0];
	v16 =	vadd.s32 s21, v12;
	v24 =	vadd.s32 v13, v18  }
0xa4: {  	v2 =	vld [tilespmem:$0xDDC0];
	v19 =	vadd.s32 s21, v4;
	v14 =	vadd.s32 s21, v5;
	v4 =	vadd.s32 v13, v16  }
0xa5: {  	v12 =	vadd.s32 s21, v8;
	v23 =	vadd.s32 s21, v17;
	v8 =	vadd.s32 v13, v14;
	v5 =	vld.idx.msk [tilespmem:v13+s20+$0x0], $0xffff  }
0xa6: {  	v9 =	vadd.s32 s21, v9;
	v17 =	vadd.s32 v13, v23;
	v6 =	vld.idx.msk [tilespmem:v6+s23+$0x0], $0xffff  }
0xa7: {  	v22 =	vadd.s32 s21, v20;
	v21 =	vadd.s32 s21, v11;
	v27 =	vadd.s32 v13, v19;
	v29 =	vld.idx.msk [tilespmem:v15+s23+$0x0], $0xffff  }
0xa8: {  	v11 =	vadd.s32 s21, v25;
	v15 =	vadd.s32 s21, v7;
	v7 =	vadd.s32 v13, v21;
	v24 =	vld.idx.msk [tilespmem:v24+s23+$0x0], $0xffff  }
0xa9: {  	v35 =	vadd.s32 v13, v22;
	v34 =	vadd.s32 v13, v12;
	v26 =	vld.idx.msk [tilespmem:v4+s23+$0x0], $0xffff;
	v37 =	vadd.s32 v13, v15  }
0xaa: {  	v30 =	vadd.s32 v13, v9;
	v20 =	vadd.s32 s21, v2;
	v2 =	vimm.f32 $0.0e+00;
	v32 =	vld.idx.msk [tilespmem:v8+s23+$0x0], $0xffff  }
0xab: {  	s21 =	simm.s32 $0x1;
	v33 =	vadd.s32 v13, v20;
	v36 =	vld.idx.msk [tilespmem:v17+s23+$0x0], $0xffff;
	v17 =	vimm.f32 $0.0e+00;
	v8 =	vimm.f32 $0.0e+00  }
0xac: {  	v28 =	vld.idx.msk [tilespmem:v27+s23+$0x0], $0xffff;
	v4 =	vmul.f32 v29, v6;
	v6 =	vadd.s32 s21, v0;
	v29 =	vadd.s32 v13, v11  }
0xad: {  	v31 =	vld.idx.msk [tilespmem:v7+s23+$0x0], $0xffff;
	v13 =	vimm.f32 $0.0e+00;
	v7 =	vimm.f32 $0.0e+00;
	v27 =	vand.u32 $0x3F, v6  }
0xae: {  	s21 =	simm.s32 $0x2;
	v37 =	vld.idx.msk [tilespmem:v37+s23+$0x0], $0xffff;
	v6 =	vimm.f32 $0.0e+00;
	v25 =	vmul.f32 v4, v5;
	v4 =	vimm.f32 $0.0e+00  }
.LBB2_8:
0xaf: {  	p1 =	sne.s32 s21, $0x3F;
	v38 =	vadd.s32 v27, v18;
	v39 =	vadd.s32 v27, v16;
	v40 =	vadd.s32 v27, v10;
	v41 =	vld.idx.msk [tilespmem:v35+s23+$0x0], $0xffff  }
0xb0: {  	v42 =	vadd.s32 v27, v19;
	v43 =	vadd.s32 v27, v3;
	v44 =	vld.idx.msk [tilespmem:v34+s23+$0x0], $0xffff;
	v2 =	vadd.f32 v25, v2  }
0xb1: {  	v45 =	vadd.s32 v27, v14;
	v46 =	vadd.s32 v27, v23;
	v25 =	vadd.s32 v27, v21;
	v47 =	vld.idx.msk [tilespmem:v33+s23+$0x0], $0xffff  }
0xb2: {  	v48 =	vadd.s32 v27, v15;
	v35 =	vadd.s32 v27, v22;
	v34 =	vadd.s32 v27, v12;
	v49 =	vld.idx.msk [tilespmem:v30+s23+$0x0], $0xffff  }
0xb3: {  	v33 =	vadd.s32 v27, v20;
	v30 =	vadd.s32 v27, v9;
	v50 =	vld.idx.msk [tilespmem:v29+s23+$0x0], $0xffff;
	v29 =	vadd.s32 v27, v11  }
0xb4: {  	v26 =	vmul.f32 v26, v24;
	v28 =	vmul.f32 v31, v28;
	v40 =	vld.idx.msk [tilespmem:v40+s23+$0x0], $0xffff  }
0xb5: {  	v31 =	vmul.f32 v36, v32;
	v32 =	vmul.f32 v41, v37;
	v43 =	vld.idx.msk [tilespmem:v43+s23+$0x0], $0xffff  }
0xb6: {  	v36 =	vmul.f32 v26, v5;
	v28 =	vmul.f32 v28, v5;
	v24 =	vld.idx.msk [tilespmem:v38+s23+$0x0], $0xffff  }
0xb7: {  	v38 =	vld.idx.msk [tilespmem:v27+s20+$0x0], $0xffff;
	v27 =	vmul.f32 v31, v5;
	v31 =	vmul.f32 v47, v44  }
0xb8: {  	v17 =	vadd.f32 v36, v17;
	v13 =	vadd.f32 v28, v13;
	v32 =	vmul.f32 v32, v5;
	v26 =	vld.idx.msk [tilespmem:v39+s23+$0x0], $0xffff  }
.Ltmp4:
0xb9: {  	v36 =	vmul.f32 v50, v49;
	v28 =	vld.idx.msk [tilespmem:v42+s23+$0x0], $0xffff;
	v8 =	vadd.f32 v27, v8;
	v27 =	vmul.f32 v31, v5;
	(pc) =	sbr.rel @p1 .LBB2_8-.Ltmp4, $4  }
0xba: {  	v7 =	vadd.f32 v32, v7;
	v31 =	vld.idx.msk [tilespmem:v25+s23+$0x0], $0xffff  }
0xbb: {  	v25 =	vmul.f32 v43, v40;
	v39 =	vmul.f32 v36, v5;
	v32 =	vld.idx.msk [tilespmem:v45+s23+$0x0], $0xffff;
	v6 =	vadd.f32 v27, v6  }
0xbc: {  	v27 =	vadd.s32 s21, v0;
	v36 =	vld.idx.msk [tilespmem:v46+s23+$0x0], $0xffff  }
0xbd: {  	s21 =	sadd.s32 $0x1, s21;
	v27 =	vand.u32 $0x3F, v27;
	v25 =	vmul.f32 v25, v38;
	v4 =	vadd.f32 v39, v4;
	v5 =	vmovc v38;
	v37 =	vld.idx.msk [tilespmem:v48+s23+$0x0], $0xffff  }
0xbe: {  	_ =	sdelay $0x3  }
0xbf: {  	v35 =	vld.idx.msk [tilespmem:v35+s23+$0x0], $0xffff  }
0xc0: {  	v34 =	vld.idx.msk [tilespmem:v34+s23+$0x0], $0xffff  }
0xc1: {  	v33 =	vld.idx.msk [tilespmem:v33+s23+$0x0], $0xffff  }
0xc2: {  	v30 =	vld.idx.msk [tilespmem:v30+s23+$0x0], $0xffff;
	s21 =	smul.u32 $0x190, s19  }
0xc3: {  	v18 =	vadd.s32 v27, v18;
	v29 =	vld.idx.msk [tilespmem:v29+s23+$0x0], $0xffff  }
0xc4: {  	v16 =	vadd.s32 v27, v16;
	v38 =	vld.idx.msk [tilespmem:v27+s20+$0x0], $0xffff;
	s21 =	sshra.s32 s21, $0x2  }
0xc5: {  	v19 =	vadd.s32 v27, v19;
	v52 =	vld [tilespmem:s21+$0xD680]  }
0xc6: {  	v21 =	vadd.s32 v27, v21;
	v54 =	vld [tilespmem:s21+$0xD690]  }
0xc7: {  	v14 =	vadd.s32 v27, v14;
	v56 =	vld [tilespmem:s21+$0xD6A0]  }
0xc8: {  	v23 =	vadd.s32 v27, v23;
	v18 =	vld.idx.msk [tilespmem:v18+s23+$0x0], $0xffff  }
0xc9: {  	v15 =	vadd.s32 v27, v15;
	v16 =	vld.idx.msk [tilespmem:v16+s23+$0x0], $0xffff  }
0xca: {  	v22 =	vadd.s32 v27, v22;
	v19 =	vld.idx.msk [tilespmem:v19+s23+$0x0], $0xffff  }
0xcb: {  	v12 =	vadd.s32 v27, v12;
	v24 =	vmul.f32 v26, v24;
	v21 =	vld.idx.msk [tilespmem:v21+s23+$0x0], $0xffff  }
0xcc: {  	v20 =	vadd.s32 v27, v20;
	v47 =	vmul.f32 v31, v28;
	v14 =	vld.idx.msk [tilespmem:v14+s23+$0x0], $0xffff  }
0xcd: {  	v9 =	vadd.s32 v27, v9;
	v24 =	vmul.f32 v24, v5;
	v48 =	vmul.f32 v36, v32;
	v23 =	vld.idx.msk [tilespmem:v23+s23+$0x0], $0xffff  }
0xce: {  	v11 =	vadd.s32 v27, v11;
	v26 =	vmul.f32 v47, v5;
	v15 =	vld.idx.msk [tilespmem:v15+s23+$0x0], $0xffff;
	v49 =	vmul.f32 v35, v37  }
0xcf: {  	v10 =	vadd.s32 v27, v10;
	v22 =	vld.idx.msk [tilespmem:v22+s23+$0x0], $0xffff;
	v28 =	vmul.f32 v48, v5;
	v16 =	vmul.f32 v16, v18  }
0xd0: {  	v3 =	vadd.s32 v27, v3;
	v12 =	vld.idx.msk [tilespmem:v12+s23+$0x0], $0xffff;
	v50 =	vmul.f32 v33, v34;
	v53 =	vmul.f32 v29, v30  }
0xd1: {  	v17 =	vadd.f32 v24, v17;
	v20 =	vld.idx.msk [tilespmem:v20+s23+$0x0], $0xffff;
	v19 =	vmul.f32 v21, v19;
	v16 =	vmul.f32 v16, v38  }
0xd2: {  	v9 =	vld.idx.msk [tilespmem:v9+s23+$0x0], $0xffff;
	v13 =	vadd.f32 v26, v13;
	v51 =	vmul.f32 v49, v5;
	v55 =	vmul.f32 v53, v5  }
0xd3: {  	v11 =	vld.idx.msk [tilespmem:v11+s23+$0x0], $0xffff;
	v14 =	vmul.f32 v23, v14;
	v19 =	vmul.f32 v19, v38;
	v16 =	vadd.f32 v16, v17  }
0xd4: {  	v10 =	vld.idx.msk [tilespmem:v10+s23+$0x0], $0xffff;
	v8 =	vadd.f32 v28, v8;
	v18 =	vmul.f32 v50, v5;
	v15 =	vmul.f32 v22, v15  }
0xd5: {  	v3 =	vld.idx.msk [tilespmem:v3+s23+$0x0], $0xffff;
	v14 =	vmul.f32 v14, v38;
	v13 =	vadd.f32 v19, v13;
	v16 =	vmul.f32 v52, v16  }
0xd6: {  	v57 =	vld [tilespmem:s21+$0xD6B0];
	v7 =	vadd.f32 v51, v7;
	v12 =	vmul.f32 v20, v12;
	v15 =	vmul.f32 v15, v38  }
0xd7: {  	v8 =	vadd.f32 v14, v8;
	v13 =	vmul.f32 v54, v13;
	v58 =	vadd.f32 v16, v1  }
0xd8: {  	v59 =	vld [tilespmem:s21+$0xD6C0];
	v9 =	vmul.f32 v11, v9;
	v6 =	vadd.f32 v18, v6;
	v12 =	vmul.f32 v12, v38  }
0xd9: {  	v7 =	vadd.f32 v15, v7;
	v8 =	vmul.f32 v56, v8;
	v13 =	vadd.f32 v13, v58  }
0xda: {  	v61 =	vld [tilespmem:s21+$0xD6D0];
	v4 =	vadd.f32 v55, v4;
	v3 =	vmul.f32 v3, v10;
	v9 =	vmul.f32 v9, v38  }
0xdb: {  	v62 =	vld [tilespmem:s21+$0xD6D4];
	v60 =	vadd.f32 v12, v6;
	v7 =	vmul.f32 v57, v7;
	v8 =	vadd.f32 v8, v13  }
0xdc: {  	v2 =	vadd.f32 v25, v2;
	v3 =	vmul.f32 v3, v38  }
0xdd: {  	v4 =	vadd.f32 v9, v4;
	v5 =	vmul.f32 v59, v60;
	v7 =	vadd.f32 v7, v8;
	_ =	sdelay $0x1  }
0xde: {  	v2 =	vadd.f32 v3, v2;
	v4 =	vmul.f32 v61, v4;
	v3 =	vadd.f32 v5, v7  }
0xdf: {  	v63 =	vsel vm0, $0x0, v62  }
0xe0: {  	v2 =	vmul.f32 v63, v2;
	v3 =	vadd.f32 v4, v3;
	_ =	sdelay $0x1  }
0xe1: {  	v2 =	vadd.f32 v2, v3;
	_ =	sdelay $0x1  }
0xe2: {  	(xrf2) =	vadd.scan.msk.f32 $0xffff, v2;
	_ =	sdelay $0x8  }
0xe3: {  	s21 =	sor.u32 s1, s19;
	s19 =	sadd.s32 $0x1, s19  }
0xe4: {  	p1 =	sne.s32 s19, $0x10;
	v3 =	vmov s21;
	v2, _, _ =	vpop (xrf2)  }
.Ltmp5:
0xe5: {  	v2 =	vadd.f32 $0.0e+00, v2;
	(pc) =	sbr.rel @p1 .LBB2_7-.Ltmp5, $3  }
0xe6: {  	_ = 	snop  }
0xe7: {  	v2 =	vbroadcast v2, $0xF;
	_ =	sdelay $0x1  }
0xe8: {  	[tilespmem:v3+s28+$0x0] =	vst.idx.msk $0x1, v2  }
.Ltmp6:
0xe9: {  	(pc) =	sbr.rel @p0 .LBB2_12-.Ltmp6, $1  }
0xea: {  	_ =	sdelay $0x3  }
0xeb: {  	s1 =	sadd.s32 s2, s14  }
0xec: {  	s2 =	smul.u32 $0xD0, s1  }
0xed: {  	s1 =	smul.u32 $0x64, s1  }
.Ltmp7:
0xee: {  	_ = 	snop;
	(pc) =	sbr.rel .LBB2_2-.Ltmp7, $4  }
0xef: {  	s2 =	sadd.s32 s4, s2;
	s1 =	sshrl.u32 s1, $0x3  }
0xf0: {  	[tilespmem:s23], [sflag:$0x2] =	stream.linear.gather [hbm4b:s2+s3], $0x6800, $0x38;
	[tilespmem:$0xE100] =	vst v63  }
0xf1: {  	s0 =	sadd.s32 $0x1, s0;
	s1 =	sadd.s32 s5, s1  }
0xf2: {  	[tilespmem:s24], [sflag:$0x4] =	stream.linear.gather [hbm4b:s1+s3], $0x640, $0x38;
	[tilespmem:$0xE100] =	vst v63  }
.LBB2_13:
0xf3: {  	_ =	sfence.sel $0x180000  }
0xf4: {  	[bflag:$0x0] =	sbarrier.arrive $0xFFFF  }
0xf5: {  	_ =	strace $0x90000047  }
0xf6: {  	s0 =	stileid.u32;
	[bflag:$0x2] =	sbarrier.arrive $0xFFFF  }
0xf7: {  	p0 =	sne.s32 s0, $0x0;
	s0 =	rddreg [dreg:$0x3]  }
0xf8: {  	s0 =	sadd.s32 @!p0 $0x100000, s0  }
0xf9: {  	[sflag:s0] =	ssyncadd.tile.s32 @!p0 $0x1;
	_ =	shalt  }
.Lfunc_end2:
_tile_overlayer_lowered:
.L_overlay_start_2:
0xfa: {  	(tag) =	ssettag $0x2  }
0xfb: {  	s0 =	rddreg [dreg:$0x0];
	s2 =	stileid.u32  }
0xfc: {  	s1 =	rddreg [dreg:$0x1];
	p0 =	sne.s32 s2, $0x0  }
0xfd: {  	s3 =	rddreg [dreg:$0x2];
	[bflag:$0x3] =	sbarrier.arrive $0xFFFF;
	s2 =	simm.s32 @!p0 $0x1C05  }
0xfe: {  	[timem:s3], [sflag:s2] =	dma.local @!p0 [hbm:s0], s1  }
0xff: {  	s0 =	simm.s32 @!p0 $0x5  }
0x100: {  	_ =	swait.ge @!p0 [sflag:s0], s1  }
0x101: {  	s1 =	ssub.s32 @!p0 $0x0, s1;
	[sflag:s0] =	ssyncset.done @!p0 $0x0  }
0x102: {  	[sflag:s0] =	ssyncadd.s32 @!p0 s1  }
0x103: {  	[bflag:$0x3] =	sbarrier.arrive $0xFFFF  }
0x104: {  	_ =	shalt  }

</sc_bundles>
